<compile_context>
chip_gen: v7x
topology: tpu7x:2x2x1
jax: 0.10.2.dev20260603
libtpu: 0.0.44.dev20260713+nightly
codegen_flags: <defaults>
</compile_context>

<pallas_src>
import functools

import jax
import jax.numpy as jnp
from jax import lax
from jax.experimental import pallas as pl
from jax.experimental.pallas import tpu as pltpu
from jax.experimental.pallas import tpu_sc as plsc

TABLE_SIZE = 640
HIDDEN = 256
B = 4096
L = 50

_info = plsc.get_sparse_core_info()
NC, NS = _info.num_cores, _info.num_subcores
NW = NC * NS
SPT = B // NW
QS = 64
NQ = SPT // QS
PR = QS // 2

_mesh = plsc.VectorSubcoreMesh(core_axis_name="c", subcore_axis_name="s")


@functools.partial(
    pl.kernel,
    mesh=_mesh,
    out_type=jax.ShapeDtypeStruct((B // 2, TABLE_SIZE), jnp.int32),
    scratch_types=[
        pltpu.VMEM((L, SPT), jnp.int32),
        pltpu.VMEM((L, SPT), jnp.int32),
        pltpu.VMEM((PR, TABLE_SIZE), jnp.int32),
        pltpu.VMEM((PR, TABLE_SIZE), jnp.int32),
        pltpu.SemaphoreType.DMA,
        pltpu.SemaphoreType.DMA,
        pltpu.SemaphoreType.DMA,
    ],
    compiler_params=pltpu.CompilerParams(needs_layout_passes=False),
)
def _sc_hist(idx0_hbm, idx1_hbm, out_hbm, idx0_v, idx1_v, cnt_a, cnt_b,
             sem_i, sem_a, sem_b):
    wid = lax.axis_index("s") * NC + lax.axis_index("c")
    sbase = wid * SPT
    pbase = wid * (SPT // 2)
    zero16 = jnp.zeros((16,), jnp.int32)
    adds = [[jnp.full((16,), 1 << (16 * f + 8 * t), jnp.int32)
             for t in range(2)] for f in range(2)]
    lane = lax.iota(jnp.int32, 16)
    ld0 = pltpu.async_copy(idx0_hbm.at[:, pl.ds(sbase, SPT)], idx0_v, sem_i)
    ld1 = pltpu.async_copy(idx1_hbm.at[:, pl.ds(sbase, SPT)], idx1_v, sem_i)

    for buf in (cnt_a, cnt_b):

        def zrow_body(s, zc, buf=buf):
            for k in range(TABLE_SIZE // 16):
                buf[s, pl.ds(k * 16, 16)] = zero16
            return zc

        lax.fori_loop(0, PR, zrow_body, 0)

    ld0.wait()
    ld1.wait()

    copies = []
    for q in range(NQ):
        cnt_v = (cnt_a, cnt_b)[q % 2]
        sem_o = (sem_a, sem_b)[q % 2]

        for m in range(4):
            f = m % 2
            col = q * QS + m * 16
            row16 = lane + (m // 2) * 16
            a0, a1 = adds[f][0], adds[f][1]

            def j_body(j5, jc, col=col, row16=row16, a0=a0, a1=a1,
                       cnt_v=cnt_v):
                for u in range(5):
                    j = j5 * 5 + u
                    cv0 = idx0_v[j, pl.ds(col, 16)]
                    plsc.addupdate_scatter(cnt_v, [row16, cv0], a0)
                    cv1 = idx1_v[j, pl.ds(col, 16)]
                    plsc.addupdate_scatter(cnt_v, [row16, cv1], a1)
                return jc

            lax.fori_loop(0, L // 5, j_body, 0)

        copies.append(pltpu.async_copy(
            cnt_v, out_hbm.at[pl.ds(pbase + q * PR, PR)], sem_o))
    for cp in copies:
        cp.wait()


BT2 = 1024


def _tc_kernel(cnt_ref, emb0_ref, emb1_ref, w2_ref, b2_ref,
               w3_ref, b3_ref, w4_ref, b4_ref, out_ref):
    w = cnt_ref[...]
    c0 = jnp.concatenate(
        [jnp.bitwise_and(w, 0xFF),
         jnp.bitwise_and(jnp.right_shift(w, 16), 0xFF)], axis=0
    ).astype(jnp.float32)
    c1 = jnp.concatenate(
        [jnp.bitwise_and(jnp.right_shift(w, 8), 0xFF),
         jnp.right_shift(w, 24)], axis=0
    ).astype(jnp.float32)
    dn = (((1,), (0,)), ((), ()))
    sum0 = jax.lax.dot_general(c0, emb0_ref[...], dn,
                               preferred_element_type=jnp.float32)
    sum1 = jax.lax.dot_general(c1, emb1_ref[...], dn,
                               preferred_element_type=jnp.float32)
    h0 = jnp.maximum(sum0, 0.0)
    h1 = jnp.maximum(sum1, 0.0)
    dn_nt = (((1,), (1,)), ((), ()))
    w2 = w2_ref[...]
    x = (jax.lax.dot_general(h0, w2[:, :HIDDEN], dn_nt,
                             preferred_element_type=jnp.float32)
         + jax.lax.dot_general(h1, w2[:, HIDDEN:], dn_nt,
                               preferred_element_type=jnp.float32)
         + b2_ref[...])
    x = jnp.maximum(x, 0.0)
    x = jax.lax.dot_general(x, w3_ref[...], dn_nt,
                            preferred_element_type=jnp.float32) + b3_ref[...]
    x = jnp.maximum(x, 0.0)
    out_ref[...] = (jax.lax.dot_general(w4_ref[...], x, dn_nt,
                                        preferred_element_type=jnp.float32)
                    + b4_ref[0, 0])


@jax.jit
def kernel(idx0_batch, idx1_batch, emb0_w, emb1_w, fc2_w, fc2_b, fc3_w,
           fc3_b, fc4_w, fc4_b):
    idx0_t = idx0_batch.astype(jnp.int32).T
    idx1_t = idx1_batch.astype(jnp.int32).T
    counts = _sc_hist(idx0_t, idx1_t)

    b2 = fc2_b.reshape(1, -1)
    b3 = fc3_b.reshape(1, -1)
    b4 = fc4_b.reshape(1, 1)
    ntile = (B // 2) // BT2
    out = pl.pallas_call(
        _tc_kernel,
        grid=(ntile,),
        in_specs=[
            pl.BlockSpec((BT2, TABLE_SIZE), lambda i: (i, 0)),
            pl.BlockSpec((TABLE_SIZE, HIDDEN), lambda i: (0, 0)),
            pl.BlockSpec((TABLE_SIZE, HIDDEN), lambda i: (0, 0)),
            pl.BlockSpec(fc2_w.shape, lambda i: (0, 0)),
            pl.BlockSpec(b2.shape, lambda i: (0, 0)),
            pl.BlockSpec(fc3_w.shape, lambda i: (0, 0)),
            pl.BlockSpec(b3.shape, lambda i: (0, 0)),
            pl.BlockSpec(fc4_w.shape, lambda i: (0, 0)),
            pl.BlockSpec(b4.shape, lambda i: (0, 0)),
        ],
        out_specs=pl.BlockSpec((1, 2 * BT2), lambda i: (0, i)),
        out_shape=jax.ShapeDtypeStruct((1, ntile * 2 * BT2), jnp.float32),
        compiler_params=pltpu.CompilerParams(
            dimension_semantics=("arbitrary",),
        ),
    )(counts, emb0_w, emb1_w, fc2_w, b2, fc3_w, b3, fc4_w, b4)
    return (out.reshape(ntile, 2, BT2 // PR, 2, 16)
            .transpose(0, 2, 3, 1, 4).reshape(B))

# --- scband reference (transcript-rebuilt; emitter-appended) ---
"""Pipeline reference for scband-half-kp-nnue-13984413515991 (READ-ONLY COPY).

The authoritative reference and input builder live on the scoring server;
editing this copy changes nothing except your own understanding.
"""

import jax, jax.numpy as jnp
import numpy as np

TABLE_SIZE = 640
HIDDEN_SIZE = 256
MLP_HIDDEN = 32
B = 4096
L = 50


def setup_inputs(seed: int = 0) -> dict:
    key = jax.random.key(seed)
    k = jax.random.split(key, 12)
    idx0 = jax.random.randint(k[0], (B, L), 0, TABLE_SIZE, dtype=jnp.int64 if jax.config.jax_enable_x64 else jnp.int32)
    idx1 = jax.random.randint(k[1], (B, L), 0, TABLE_SIZE, dtype=jnp.int64 if jax.config.jax_enable_x64 else jnp.int32)
    emb0_w = jax.random.normal(k[2], (TABLE_SIZE, HIDDEN_SIZE), dtype=jnp.float32) * 0.01
    emb1_w = jax.random.normal(k[3], (TABLE_SIZE, HIDDEN_SIZE), dtype=jnp.float32) * 0.01
    lim2 = 1.0 / np.sqrt(2 * HIDDEN_SIZE)
    fc2_w = jax.random.uniform(k[4], (MLP_HIDDEN, 2 * HIDDEN_SIZE), dtype=jnp.float32, minval=-lim2, maxval=lim2)
    fc2_b = jax.random.uniform(k[5], (MLP_HIDDEN,), dtype=jnp.float32, minval=-lim2, maxval=lim2)
    lim3 = 1.0 / np.sqrt(MLP_HIDDEN)
    fc3_w = jax.random.uniform(k[6], (MLP_HIDDEN, MLP_HIDDEN), dtype=jnp.float32, minval=-lim3, maxval=lim3)
    fc3_b = jax.random.uniform(k[7], (MLP_HIDDEN,), dtype=jnp.float32, minval=-lim3, maxval=lim3)
    fc4_w = jax.random.uniform(k[8], (1, MLP_HIDDEN), dtype=jnp.float32, minval=-lim3, maxval=lim3)
    fc4_b = jax.random.uniform(k[9], (1,), dtype=jnp.float32, minval=-lim3, maxval=lim3)
    return {
        "idx0_batch": idx0,
        "idx1_batch": idx1,
        "emb0_w": emb0_w,
        "emb1_w": emb1_w,
        "fc2_w": fc2_w,
        "fc2_b": fc2_b,
        "fc3_w": fc3_w,
        "fc3_b": fc3_b,
        "fc4_w": fc4_w,
        "fc4_b": fc4_b,
    }


def reference(idx0_batch, idx1_batch, emb0_w, emb1_w, fc2_w, fc2_b, fc3_w, fc3_b, fc4_w, fc4_b):
    # SparseAccumulator.reset: embedding gather + sum over active features + clipped-ReLU
    sum0 = jnp.take(emb0_w, idx0_batch, axis=0).sum(axis=1)  # [B, H]
    sum1 = jnp.take(emb1_w, idx1_batch, axis=0).sum(axis=1)  # [B, H]
    acc0 = jnp.maximum(sum0, 0.0)
    acc1 = jnp.maximum(sum1, 0.0)
    h = jnp.concatenate([acc0, acc1], axis=1)  # [B, 2H]
    # _mlp
    x = jax.nn.relu(h @ fc2_w.T + fc2_b)
    x = jax.nn.relu(x @ fc3_w.T + fc3_b)
    out = (x @ fc4_w.T + fc4_b).squeeze(-1)  # [B]
    return out

if __name__ == "__main__":
    import jax
    _d = setup_inputs()
    print(jax.jit(kernel)(*tuple(_d.values())))

</pallas_src>

<mosaic_0001>
#map = affine_map<(d0, d1) -> (0, 0)>
module attributes {stable_mosaic.version = 14 : i64} {
  func.func @_sc_hist(%arg0: i32, %arg1: i32, %arg2: memref<50x4096xi32, #tpu.memory_space<hbm>>, %arg3: memref<50x4096xi32, #tpu.memory_space<hbm>>, %arg4: memref<2048x640xi32, #tpu.memory_space<hbm>>, %arg5: memref<50x128xi32, #tpu.memory_space<vmem>>, %arg6: memref<50x128xi32, #tpu.memory_space<vmem>>, %arg7: memref<32x640xi32, #tpu.memory_space<vmem>>, %arg8: memref<32x640xi32, #tpu.memory_space<vmem>>, %arg9: memref<!tpu.dma_semaphore, #tpu.memory_space<semaphore_mem>>, %arg10: memref<!tpu.dma_semaphore, #tpu.memory_space<semaphore_mem>>, %arg11: memref<!tpu.dma_semaphore, #tpu.memory_space<semaphore_mem>>) attributes {dimension_semantics = [#tpu.dimension_semantics<core_parallel>, #tpu.dimension_semantics<subcore_parallel>], iteration_bounds = array<i64: 2, 16>, scalar_prefetch = 0 : i64, scratch_operands = 7 : i64, tpu.core_type = #tpu.core_type<sc_vector_subcore>, window_params = [{transform_indices = #map}, {transform_indices = #map}, {transform_indices = #map}]} {
    %mul3A = arith.constant 2 : i32
    %mul3A_0 = arith.muli %arg1, %mul3A : i32
    %add3A = arith.addi %mul3A_0, %arg0 : i32
    %mul3A_1 = arith.constant 128 : i32
    %mul3A_2 = arith.muli %add3A, %mul3A_1 : i32
    %mul3A_3 = arith.constant 64 : i32
    %mul3A_4 = arith.muli %add3A, %mul3A_3 : i32
    %broadcast_in_dim3A = arith.constant 0 : i32
    %broadcast_in_dim3A_5 = vector.broadcast %broadcast_in_dim3A : i32 to vector<16xi32>
    %broadcast_in_dim3A_6 = arith.constant 1 : i32
    %broadcast_in_dim3A_7 = vector.broadcast %broadcast_in_dim3A_6 : i32 to vector<16xi32>
    %broadcast_in_dim3A_8 = arith.constant 256 : i32
    %broadcast_in_dim3A_9 = vector.broadcast %broadcast_in_dim3A_8 : i32 to vector<16xi32>
    %broadcast_in_dim3A_10 = arith.constant 65536 : i32
    %broadcast_in_dim3A_11 = vector.broadcast %broadcast_in_dim3A_10 : i32 to vector<16xi32>
    %broadcast_in_dim3A_12 = arith.constant 16777216 : i32
    %broadcast_in_dim3A_13 = vector.broadcast %broadcast_in_dim3A_12 : i32 to vector<16xi32>
    %iota3A = tpu.iota {dimensions = array<i32: 0>} : vector<16xi32>
    %dma_start3A = arith.constant 0 : i32
    %dma_start3A_14 = tpu.memref_slice %arg2[%dma_start3A, %mul3A_2] : memref<50x4096xi32, #tpu.memory_space<hbm>> -> memref<50x128xi32, #tpu.memory_space<hbm>>
    %dma_start3A_15 = arith.constant 0 : i32
    %dma_start3A_16 = tpu.memref_slice %arg2[%dma_start3A_15, %mul3A_2] : memref<50x4096xi32, #tpu.memory_space<hbm>> -> memref<50x128xi32, #tpu.memory_space<hbm>>
    tpu.enqueue_dma source(%dma_start3A_16 : memref<50x128xi32, #tpu.memory_space<hbm>>) target(%arg5 : memref<50x128xi32, #tpu.memory_space<vmem>>) target_semaphore(%arg9 : memref<!tpu.dma_semaphore, #tpu.memory_space<semaphore_mem>>)
    %dma_start3A_17 = arith.constant 0 : i32
    %dma_start3A_18 = tpu.memref_slice %arg3[%dma_start3A_17, %mul3A_2] : memref<50x4096xi32, #tpu.memory_space<hbm>> -> memref<50x128xi32, #tpu.memory_space<hbm>>
    %dma_start3A_19 = arith.constant 0 : i32
    %dma_start3A_20 = tpu.memref_slice %arg3[%dma_start3A_19, %mul3A_2] : memref<50x4096xi32, #tpu.memory_space<hbm>> -> memref<50x128xi32, #tpu.memory_space<hbm>>
    tpu.enqueue_dma source(%dma_start3A_20 : memref<50x128xi32, #tpu.memory_space<hbm>>) target(%arg6 : memref<50x128xi32, #tpu.memory_space<vmem>>) target_semaphore(%arg9 : memref<!tpu.dma_semaphore, #tpu.memory_space<semaphore_mem>>)
    %scan3A = arith.constant 0 : i32
    %scan3A_21 = arith.constant 0 : i32
    %scan3A_22 = arith.constant 32 : i32
    %scan3A_23 = arith.addi %scan3A_21, %scan3A_22 : i32
    %scan3A_24 = arith.constant 1 : i32
    scf.for %scan3A_131 = %scan3A_21 to %scan3A_23 step %scan3A_24  : i32 {
      %swap3A = arith.index_cast %scan3A_131 : i32 to index
      %swap3A_132 = arith.constant 0 : index
      %swap3A_133 = tpu.vector_load %arg7[%swap3A, %swap3A_132] {strides = array<i32>} : memref<32x640xi32, #tpu.memory_space<vmem>>, vector<16xi32>,
      tpu.vector_store %arg7[%swap3A, %swap3A_132], %broadcast_in_dim3A_5 {strides = array<i32>} : memref<32x640xi32, #tpu.memory_space<vmem>>, vector<16xi32>,
      %swap3A_134 = arith.index_cast %scan3A_131 : i32 to index
      %swap3A_135 = arith.constant 16 : index
      %swap3A_136 = tpu.vector_load %arg7[%swap3A_134, %swap3A_135] {strides = array<i32>} : memref<32x640xi32, #tpu.memory_space<vmem>>, vector<16xi32>,
      tpu.vector_store %arg7[%swap3A_134, %swap3A_135], %broadcast_in_dim3A_5 {strides = array<i32>} : memref<32x640xi32, #tpu.memory_space<vmem>>, vector<16xi32>,
      %swap3A_137 = arith.index_cast %scan3A_131 : i32 to index
      %swap3A_138 = arith.constant 32 : index
      %swap3A_139 = tpu.vector_load %arg7[%swap3A_137, %swap3A_138] {strides = array<i32>} : memref<32x640xi32, #tpu.memory_space<vmem>>, vector<16xi32>,
      tpu.vector_store %arg7[%swap3A_137, %swap3A_138], %broadcast_in_dim3A_5 {strides = array<i32>} : memref<32x640xi32, #tpu.memory_space<vmem>>, vector<16xi32>,
      %swap3A_140 = arith.index_cast %scan3A_131 : i32 to index
      %swap3A_141 = arith.constant 48 : index
      %swap3A_142 = tpu.vector_load %arg7[%swap3A_140, %swap3A_141] {strides = array<i32>} : memref<32x640xi32, #tpu.memory_space<vmem>>, vector<16xi32>,
      tpu.vector_store %arg7[%swap3A_140, %swap3A_141], %broadcast_in_dim3A_5 {strides = array<i32>} : memref<32x640xi32, #tpu.memory_space<vmem>>, vector<16xi32>,
      %swap3A_143 = arith.index_cast %scan3A_131 : i32 to index
      %swap3A_144 = arith.constant 64 : index
      %swap3A_145 = tpu.vector_load %arg7[%swap3A_143, %swap3A_144] {strides = array<i32>} : memref<32x640xi32, #tpu.memory_space<vmem>>, vector<16xi32>,
      tpu.vector_store %arg7[%swap3A_143, %swap3A_144], %broadcast_in_dim3A_5 {strides = array<i32>} : memref<32x640xi32, #tpu.memory_space<vmem>>, vector<16xi32>,
      %swap3A_146 = arith.index_cast %scan3A_131 : i32 to index
      %swap3A_147 = arith.constant 80 : index
      %swap3A_148 = tpu.vector_load %arg7[%swap3A_146, %swap3A_147] {strides = array<i32>} : memref<32x640xi32, #tpu.memory_space<vmem>>, vector<16xi32>,
      tpu.vector_store %arg7[%swap3A_146, %swap3A_147], %broadcast_in_dim3A_5 {strides = array<i32>} : memref<32x640xi32, #tpu.memory_space<vmem>>, vector<16xi32>,
      %swap3A_149 = arith.index_cast %scan3A_131 : i32 to index
      %swap3A_150 = arith.constant 96 : index
      %swap3A_151 = tpu.vector_load %arg7[%swap3A_149, %swap3A_150] {strides = array<i32>} : memref<32x640xi32, #tpu.memory_space<vmem>>, vector<16xi32>,
      tpu.vector_store %arg7[%swap3A_149, %swap3A_150], %broadcast_in_dim3A_5 {strides = array<i32>} : memref<32x640xi32, #tpu.memory_space<vmem>>, vector<16xi32>,
      %swap3A_152 = arith.index_cast %scan3A_131 : i32 to index
      %swap3A_153 = arith.constant 112 : index
      %swap3A_154 = tpu.vector_load %arg7[%swap3A_152, %swap3A_153] {strides = array<i32>} : memref<32x640xi32, #tpu.memory_space<vmem>>, vector<16xi32>,
      tpu.vector_store %arg7[%swap3A_152, %swap3A_153], %broadcast_in_dim3A_5 {strides = array<i32>} : memref<32x640xi32, #tpu.memory_space<vmem>>, vector<16xi32>,
      %swap3A_155 = arith.index_cast %scan3A_131 : i32 to index
      %swap3A_156 = arith.constant 128 : index
      %swap3A_157 = tpu.vector_load %arg7[%swap3A_155, %swap3A_156] {strides = array<i32>} : memref<32x640xi32, #tpu.memory_space<vmem>>, vector<16xi32>,
      tpu.vector_store %arg7[%swap3A_155, %swap3A_156], %broadcast_in_dim3A_5 {strides = array<i32>} : memref<32x640xi32, #tpu.memory_space<vmem>>, vector<16xi32>,
      %swap3A_158 = arith.index_cast %scan3A_131 : i32 to index
      %swap3A_159 = arith.constant 144 : index
      %swap3A_160 = tpu.vector_load %arg7[%swap3A_158, %swap3A_159] {strides = array<i32>} : memref<32x640xi32, #tpu.memory_space<vmem>>, vector<16xi32>,
      tpu.vector_store %arg7[%swap3A_158, %swap3A_159], %broadcast_in_dim3A_5 {strides = array<i32>} : memref<32x640xi32, #tpu.memory_space<vmem>>, vector<16xi32>,
      %swap3A_161 = arith.index_cast %scan3A_131 : i32 to index
      %swap3A_162 = arith.constant 160 : index
      %swap3A_163 = tpu.vector_load %arg7[%swap3A_161, %swap3A_162] {strides = array<i32>} : memref<32x640xi32, #tpu.memory_space<vmem>>, vector<16xi32>,
      tpu.vector_store %arg7[%swap3A_161, %swap3A_162], %broadcast_in_dim3A_5 {strides = array<i32>} : memref<32x640xi32, #tpu.memory_space<vmem>>, vector<16xi32>,
      %swap3A_164 = arith.index_cast %scan3A_131 : i32 to index
      %swap3A_165 = arith.constant 176 : index
      %swap3A_166 = tpu.vector_load %arg7[%swap3A_164, %swap3A_165] {strides = array<i32>} : memref<32x640xi32, #tpu.memory_space<vmem>>, vector<16xi32>,
      tpu.vector_store %arg7[%swap3A_164, %swap3A_165], %broadcast_in_dim3A_5 {strides = array<i32>} : memref<32x640xi32, #tpu.memory_space<vmem>>, vector<16xi32>,
      %swap3A_167 = arith.index_cast %scan3A_131 : i32 to index
      %swap3A_168 = arith.constant 192 : index
      %swap3A_169 = tpu.vector_load %arg7[%swap3A_167, %swap3A_168] {strides = array<i32>} : memref<32x640xi32, #tpu.memory_space<vmem>>, vector<16xi32>,
      tpu.vector_store %arg7[%swap3A_167, %swap3A_168], %broadcast_in_dim3A_5 {strides = array<i32>} : memref<32x640xi32, #tpu.memory_space<vmem>>, vector<16xi32>,
      %swap3A_170 = arith.index_cast %scan3A_131 : i32 to index
      %swap3A_171 = arith.constant 208 : index
      %swap3A_172 = tpu.vector_load %arg7[%swap3A_170, %swap3A_171] {strides = array<i32>} : memref<32x640xi32, #tpu.memory_space<vmem>>, vector<16xi32>,
      tpu.vector_store %arg7[%swap3A_170, %swap3A_171], %broadcast_in_dim3A_5 {strides = array<i32>} : memref<32x640xi32, #tpu.memory_space<vmem>>, vector<16xi32>,
      %swap3A_173 = arith.index_cast %scan3A_131 : i32 to index
      %swap3A_174 = arith.constant 224 : index
      %swap3A_175 = tpu.vector_load %arg7[%swap3A_173, %swap3A_174] {strides = array<i32>} : memref<32x640xi32, #tpu.memory_space<vmem>>, vector<16xi32>,
      tpu.vector_store %arg7[%swap3A_173, %swap3A_174], %broadcast_in_dim3A_5 {strides = array<i32>} : memref<32x640xi32, #tpu.memory_space<vmem>>, vector<16xi32>,
      %swap3A_176 = arith.index_cast %scan3A_131 : i32 to index
      %swap3A_177 = arith.constant 240 : index
      %swap3A_178 = tpu.vector_load %arg7[%swap3A_176, %swap3A_177] {strides = array<i32>} : memref<32x640xi32, #tpu.memory_space<vmem>>, vector<16xi32>,
      tpu.vector_store %arg7[%swap3A_176, %swap3A_177], %broadcast_in_dim3A_5 {strides = array<i32>} : memref<32x640xi32, #tpu.memory_space<vmem>>, vector<16xi32>,
      %swap3A_179 = arith.index_cast %scan3A_131 : i32 to index
      %swap3A_180 = arith.constant 256 : index
      %swap3A_181 = tpu.vector_load %arg7[%swap3A_179, %swap3A_180] {strides = array<i32>} : memref<32x640xi32, #tpu.memory_space<vmem>>, vector<16xi32>,
      tpu.vector_store %arg7[%swap3A_179, %swap3A_180], %broadcast_in_dim3A_5 {strides = array<i32>} : memref<32x640xi32, #tpu.memory_space<vmem>>, vector<16xi32>,
      %swap3A_182 = arith.index_cast %scan3A_131 : i32 to index
      %swap3A_183 = arith.constant 272 : index
      %swap3A_184 = tpu.vector_load %arg7[%swap3A_182, %swap3A_183] {strides = array<i32>} : memref<32x640xi32, #tpu.memory_space<vmem>>, vector<16xi32>,
      tpu.vector_store %arg7[%swap3A_182, %swap3A_183], %broadcast_in_dim3A_5 {strides = array<i32>} : memref<32x640xi32, #tpu.memory_space<vmem>>, vector<16xi32>,
      %swap3A_185 = arith.index_cast %scan3A_131 : i32 to index
      %swap3A_186 = arith.constant 288 : index
      %swap3A_187 = tpu.vector_load %arg7[%swap3A_185, %swap3A_186] {strides = array<i32>} : memref<32x640xi32, #tpu.memory_space<vmem>>, vector<16xi32>,
      tpu.vector_store %arg7[%swap3A_185, %swap3A_186], %broadcast_in_dim3A_5 {strides = array<i32>} : memref<32x640xi32, #tpu.memory_space<vmem>>, vector<16xi32>,
      %swap3A_188 = arith.index_cast %scan3A_131 : i32 to index
      %swap3A_189 = arith.constant 304 : index
      %swap3A_190 = tpu.vector_load %arg7[%swap3A_188, %swap3A_189] {strides = array<i32>} : memref<32x640xi32, #tpu.memory_space<vmem>>, vector<16xi32>,
      tpu.vector_store %arg7[%swap3A_188, %swap3A_189], %broadcast_in_dim3A_5 {strides = array<i32>} : memref<32x640xi32, #tpu.memory_space<vmem>>, vector<16xi32>,
      %swap3A_191 = arith.index_cast %scan3A_131 : i32 to index
      %swap3A_192 = arith.constant 320 : index
      %swap3A_193 = tpu.vector_load %arg7[%swap3A_191, %swap3A_192] {strides = array<i32>} : memref<32x640xi32, #tpu.memory_space<vmem>>, vector<16xi32>,
      tpu.vector_store %arg7[%swap3A_191, %swap3A_192], %broadcast_in_dim3A_5 {strides = array<i32>} : memref<32x640xi32, #tpu.memory_space<vmem>>, vector<16xi32>,
      %swap3A_194 = arith.index_cast %scan3A_131 : i32 to index
      %swap3A_195 = arith.constant 336 : index
      %swap3A_196 = tpu.vector_load %arg7[%swap3A_194, %swap3A_195] {strides = array<i32>} : memref<32x640xi32, #tpu.memory_space<vmem>>, vector<16xi32>,
      tpu.vector_store %arg7[%swap3A_194, %swap3A_195], %broadcast_in_dim3A_5 {strides = array<i32>} : memref<32x640xi32, #tpu.memory_space<vmem>>, vector<16xi32>,
      %swap3A_197 = arith.index_cast %scan3A_131 : i32 to index
      %swap3A_198 = arith.constant 352 : index
      %swap3A_199 = tpu.vector_load %arg7[%swap3A_197, %swap3A_198] {strides = array<i32>} : memref<32x640xi32, #tpu.memory_space<vmem>>, vector<16xi32>,
      tpu.vector_store %arg7[%swap3A_197, %swap3A_198], %broadcast_in_dim3A_5 {strides = array<i32>} : memref<32x640xi32, #tpu.memory_space<vmem>>, vector<16xi32>,
      %swap3A_200 = arith.index_cast %scan3A_131 : i32 to index
      %swap3A_201 = arith.constant 368 : index
      %swap3A_202 = tpu.vector_load %arg7[%swap3A_200, %swap3A_201] {strides = array<i32>} : memref<32x640xi32, #tpu.memory_space<vmem>>, vector<16xi32>,
      tpu.vector_store %arg7[%swap3A_200, %swap3A_201], %broadcast_in_dim3A_5 {strides = array<i32>} : memref<32x640xi32, #tpu.memory_space<vmem>>, vector<16xi32>,
      %swap3A_203 = arith.index_cast %scan3A_131 : i32 to index
      %swap3A_204 = arith.constant 384 : index
      %swap3A_205 = tpu.vector_load %arg7[%swap3A_203, %swap3A_204] {strides = array<i32>} : memref<32x640xi32, #tpu.memory_space<vmem>>, vector<16xi32>,
      tpu.vector_store %arg7[%swap3A_203, %swap3A_204], %broadcast_in_dim3A_5 {strides = array<i32>} : memref<32x640xi32, #tpu.memory_space<vmem>>, vector<16xi32>,
      %swap3A_206 = arith.index_cast %scan3A_131 : i32 to index
      %swap3A_207 = arith.constant 400 : index
      %swap3A_208 = tpu.vector_load %arg7[%swap3A_206, %swap3A_207] {strides = array<i32>} : memref<32x640xi32, #tpu.memory_space<vmem>>, vector<16xi32>,
      tpu.vector_store %arg7[%swap3A_206, %swap3A_207], %broadcast_in_dim3A_5 {strides = array<i32>} : memref<32x640xi32, #tpu.memory_space<vmem>>, vector<16xi32>,
      %swap3A_209 = arith.index_cast %scan3A_131 : i32 to index
      %swap3A_210 = arith.constant 416 : index
      %swap3A_211 = tpu.vector_load %arg7[%swap3A_209, %swap3A_210] {strides = array<i32>} : memref<32x640xi32, #tpu.memory_space<vmem>>, vector<16xi32>,
      tpu.vector_store %arg7[%swap3A_209, %swap3A_210], %broadcast_in_dim3A_5 {strides = array<i32>} : memref<32x640xi32, #tpu.memory_space<vmem>>, vector<16xi32>,
      %swap3A_212 = arith.index_cast %scan3A_131 : i32 to index
      %swap3A_213 = arith.constant 432 : index
      %swap3A_214 = tpu.vector_load %arg7[%swap3A_212, %swap3A_213] {strides = array<i32>} : memref<32x640xi32, #tpu.memory_space<vmem>>, vector<16xi32>,
      tpu.vector_store %arg7[%swap3A_212, %swap3A_213], %broadcast_in_dim3A_5 {strides = array<i32>} : memref<32x640xi32, #tpu.memory_space<vmem>>, vector<16xi32>,
      %swap3A_215 = arith.index_cast %scan3A_131 : i32 to index
      %swap3A_216 = arith.constant 448 : index
      %swap3A_217 = tpu.vector_load %arg7[%swap3A_215, %swap3A_216] {strides = array<i32>} : memref<32x640xi32, #tpu.memory_space<vmem>>, vector<16xi32>,
      tpu.vector_store %arg7[%swap3A_215, %swap3A_216], %broadcast_in_dim3A_5 {strides = array<i32>} : memref<32x640xi32, #tpu.memory_space<vmem>>, vector<16xi32>,
      %swap3A_218 = arith.index_cast %scan3A_131 : i32 to index
      %swap3A_219 = arith.constant 464 : index
      %swap3A_220 = tpu.vector_load %arg7[%swap3A_218, %swap3A_219] {strides = array<i32>} : memref<32x640xi32, #tpu.memory_space<vmem>>, vector<16xi32>,
      tpu.vector_store %arg7[%swap3A_218, %swap3A_219], %broadcast_in_dim3A_5 {strides = array<i32>} : memref<32x640xi32, #tpu.memory_space<vmem>>, vector<16xi32>,
      %swap3A_221 = arith.index_cast %scan3A_131 : i32 to index
      %swap3A_222 = arith.constant 480 : index
      %swap3A_223 = tpu.vector_load %arg7[%swap3A_221, %swap3A_222] {strides = array<i32>} : memref<32x640xi32, #tpu.memory_space<vmem>>, vector<16xi32>,
      tpu.vector_store %arg7[%swap3A_221, %swap3A_222], %broadcast_in_dim3A_5 {strides = array<i32>} : memref<32x640xi32, #tpu.memory_space<vmem>>, vector<16xi32>,
      %swap3A_224 = arith.index_cast %scan3A_131 : i32 to index
      %swap3A_225 = arith.constant 496 : index
      %swap3A_226 = tpu.vector_load %arg7[%swap3A_224, %swap3A_225] {strides = array<i32>} : memref<32x640xi32, #tpu.memory_space<vmem>>, vector<16xi32>,
      tpu.vector_store %arg7[%swap3A_224, %swap3A_225], %broadcast_in_dim3A_5 {strides = array<i32>} : memref<32x640xi32, #tpu.memory_space<vmem>>, vector<16xi32>,
      %swap3A_227 = arith.index_cast %scan3A_131 : i32 to index
      %swap3A_228 = arith.constant 512 : index
      %swap3A_229 = tpu.vector_load %arg7[%swap3A_227, %swap3A_228] {strides = array<i32>} : memref<32x640xi32, #tpu.memory_space<vmem>>, vector<16xi32>,
      tpu.vector_store %arg7[%swap3A_227, %swap3A_228], %broadcast_in_dim3A_5 {strides = array<i32>} : memref<32x640xi32, #tpu.memory_space<vmem>>, vector<16xi32>,
      %swap3A_230 = arith.index_cast %scan3A_131 : i32 to index
      %swap3A_231 = arith.constant 528 : index
      %swap3A_232 = tpu.vector_load %arg7[%swap3A_230, %swap3A_231] {strides = array<i32>} : memref<32x640xi32, #tpu.memory_space<vmem>>, vector<16xi32>,
      tpu.vector_store %arg7[%swap3A_230, %swap3A_231], %broadcast_in_dim3A_5 {strides = array<i32>} : memref<32x640xi32, #tpu.memory_space<vmem>>, vector<16xi32>,
      %swap3A_233 = arith.index_cast %scan3A_131 : i32 to index
      %swap3A_234 = arith.constant 544 : index
      %swap3A_235 = tpu.vector_load %arg7[%swap3A_233, %swap3A_234] {strides = array<i32>} : memref<32x640xi32, #tpu.memory_space<vmem>>, vector<16xi32>,
      tpu.vector_store %arg7[%swap3A_233, %swap3A_234], %broadcast_in_dim3A_5 {strides = array<i32>} : memref<32x640xi32, #tpu.memory_space<vmem>>, vector<16xi32>,
      %swap3A_236 = arith.index_cast %scan3A_131 : i32 to index
      %swap3A_237 = arith.constant 560 : index
      %swap3A_238 = tpu.vector_load %arg7[%swap3A_236, %swap3A_237] {strides = array<i32>} : memref<32x640xi32, #tpu.memory_space<vmem>>, vector<16xi32>,
      tpu.vector_store %arg7[%swap3A_236, %swap3A_237], %broadcast_in_dim3A_5 {strides = array<i32>} : memref<32x640xi32, #tpu.memory_space<vmem>>, vector<16xi32>,
      %swap3A_239 = arith.index_cast %scan3A_131 : i32 to index
      %swap3A_240 = arith.constant 576 : index
      %swap3A_241 = tpu.vector_load %arg7[%swap3A_239, %swap3A_240] {strides = array<i32>} : memref<32x640xi32, #tpu.memory_space<vmem>>, vector<16xi32>,
      tpu.vector_store %arg7[%swap3A_239, %swap3A_240], %broadcast_in_dim3A_5 {strides = array<i32>} : memref<32x640xi32, #tpu.memory_space<vmem>>, vector<16xi32>,
      %swap3A_242 = arith.index_cast %scan3A_131 : i32 to index
      %swap3A_243 = arith.constant 592 : index
      %swap3A_244 = tpu.vector_load %arg7[%swap3A_242, %swap3A_243] {strides = array<i32>} : memref<32x640xi32, #tpu.memory_space<vmem>>, vector<16xi32>,
      tpu.vector_store %arg7[%swap3A_242, %swap3A_243], %broadcast_in_dim3A_5 {strides = array<i32>} : memref<32x640xi32, #tpu.memory_space<vmem>>, vector<16xi32>,
      %swap3A_245 = arith.index_cast %scan3A_131 : i32 to index
      %swap3A_246 = arith.constant 608 : index
      %swap3A_247 = tpu.vector_load %arg7[%swap3A_245, %swap3A_246] {strides = array<i32>} : memref<32x640xi32, #tpu.memory_space<vmem>>, vector<16xi32>,
      tpu.vector_store %arg7[%swap3A_245, %swap3A_246], %broadcast_in_dim3A_5 {strides = array<i32>} : memref<32x640xi32, #tpu.memory_space<vmem>>, vector<16xi32>,
      %swap3A_248 = arith.index_cast %scan3A_131 : i32 to index
      %swap3A_249 = arith.constant 624 : index
      %swap3A_250 = tpu.vector_load %arg7[%swap3A_248, %swap3A_249] {strides = array<i32>} : memref<32x640xi32, #tpu.memory_space<vmem>>, vector<16xi32>,
      tpu.vector_store %arg7[%swap3A_248, %swap3A_249], %broadcast_in_dim3A_5 {strides = array<i32>} : memref<32x640xi32, #tpu.memory_space<vmem>>, vector<16xi32>,
    }
    %scan3A_25 = arith.constant 32 : i32
    %scan3A_26 = arith.constant 0 : i32
    %scan3A_27 = arith.constant 0 : i32
    %scan3A_28 = arith.constant 32 : i32
    %scan3A_29 = arith.addi %scan3A_27, %scan3A_28 : i32
    %scan3A_30 = arith.constant 1 : i32
    scf.for %scan3A_131 = %scan3A_27 to %scan3A_29 step %scan3A_30  : i32 {
      %swap3A = arith.index_cast %scan3A_131 : i32 to index
      %swap3A_132 = arith.constant 0 : index
      %swap3A_133 = tpu.vector_load %arg8[%swap3A, %swap3A_132] {strides = array<i32>} : memref<32x640xi32, #tpu.memory_space<vmem>>, vector<16xi32>,
      tpu.vector_store %arg8[%swap3A, %swap3A_132], %broadcast_in_dim3A_5 {strides = array<i32>} : memref<32x640xi32, #tpu.memory_space<vmem>>, vector<16xi32>,
      %swap3A_134 = arith.index_cast %scan3A_131 : i32 to index
      %swap3A_135 = arith.constant 16 : index
      %swap3A_136 = tpu.vector_load %arg8[%swap3A_134, %swap3A_135] {strides = array<i32>} : memref<32x640xi32, #tpu.memory_space<vmem>>, vector<16xi32>,
      tpu.vector_store %arg8[%swap3A_134, %swap3A_135], %broadcast_in_dim3A_5 {strides = array<i32>} : memref<32x640xi32, #tpu.memory_space<vmem>>, vector<16xi32>,
      %swap3A_137 = arith.index_cast %scan3A_131 : i32 to index
      %swap3A_138 = arith.constant 32 : index
      %swap3A_139 = tpu.vector_load %arg8[%swap3A_137, %swap3A_138] {strides = array<i32>} : memref<32x640xi32, #tpu.memory_space<vmem>>, vector<16xi32>,
      tpu.vector_store %arg8[%swap3A_137, %swap3A_138], %broadcast_in_dim3A_5 {strides = array<i32>} : memref<32x640xi32, #tpu.memory_space<vmem>>, vector<16xi32>,
      %swap3A_140 = arith.index_cast %scan3A_131 : i32 to index
      %swap3A_141 = arith.constant 48 : index
      %swap3A_142 = tpu.vector_load %arg8[%swap3A_140, %swap3A_141] {strides = array<i32>} : memref<32x640xi32, #tpu.memory_space<vmem>>, vector<16xi32>,
      tpu.vector_store %arg8[%swap3A_140, %swap3A_141], %broadcast_in_dim3A_5 {strides = array<i32>} : memref<32x640xi32, #tpu.memory_space<vmem>>, vector<16xi32>,
      %swap3A_143 = arith.index_cast %scan3A_131 : i32 to index
      %swap3A_144 = arith.constant 64 : index
      %swap3A_145 = tpu.vector_load %arg8[%swap3A_143, %swap3A_144] {strides = array<i32>} : memref<32x640xi32, #tpu.memory_space<vmem>>, vector<16xi32>,
      tpu.vector_store %arg8[%swap3A_143, %swap3A_144], %broadcast_in_dim3A_5 {strides = array<i32>} : memref<32x640xi32, #tpu.memory_space<vmem>>, vector<16xi32>,
      %swap3A_146 = arith.index_cast %scan3A_131 : i32 to index
      %swap3A_147 = arith.constant 80 : index
      %swap3A_148 = tpu.vector_load %arg8[%swap3A_146, %swap3A_147] {strides = array<i32>} : memref<32x640xi32, #tpu.memory_space<vmem>>, vector<16xi32>,
      tpu.vector_store %arg8[%swap3A_146, %swap3A_147], %broadcast_in_dim3A_5 {strides = array<i32>} : memref<32x640xi32, #tpu.memory_space<vmem>>, vector<16xi32>,
      %swap3A_149 = arith.index_cast %scan3A_131 : i32 to index
      %swap3A_150 = arith.constant 96 : index
      %swap3A_151 = tpu.vector_load %arg8[%swap3A_149, %swap3A_150] {strides = array<i32>} : memref<32x640xi32, #tpu.memory_space<vmem>>, vector<16xi32>,
      tpu.vector_store %arg8[%swap3A_149, %swap3A_150], %broadcast_in_dim3A_5 {strides = array<i32>} : memref<32x640xi32, #tpu.memory_space<vmem>>, vector<16xi32>,
      %swap3A_152 = arith.index_cast %scan3A_131 : i32 to index
      %swap3A_153 = arith.constant 112 : index
      %swap3A_154 = tpu.vector_load %arg8[%swap3A_152, %swap3A_153] {strides = array<i32>} : memref<32x640xi32, #tpu.memory_space<vmem>>, vector<16xi32>,
      tpu.vector_store %arg8[%swap3A_152, %swap3A_153], %broadcast_in_dim3A_5 {strides = array<i32>} : memref<32x640xi32, #tpu.memory_space<vmem>>, vector<16xi32>,
      %swap3A_155 = arith.index_cast %scan3A_131 : i32 to index
      %swap3A_156 = arith.constant 128 : index
      %swap3A_157 = tpu.vector_load %arg8[%swap3A_155, %swap3A_156] {strides = array<i32>} : memref<32x640xi32, #tpu.memory_space<vmem>>, vector<16xi32>,
      tpu.vector_store %arg8[%swap3A_155, %swap3A_156], %broadcast_in_dim3A_5 {strides = array<i32>} : memref<32x640xi32, #tpu.memory_space<vmem>>, vector<16xi32>,
      %swap3A_158 = arith.index_cast %scan3A_131 : i32 to index
      %swap3A_159 = arith.constant 144 : index
      %swap3A_160 = tpu.vector_load %arg8[%swap3A_158, %swap3A_159] {strides = array<i32>} : memref<32x640xi32, #tpu.memory_space<vmem>>, vector<16xi32>,
      tpu.vector_store %arg8[%swap3A_158, %swap3A_159], %broadcast_in_dim3A_5 {strides = array<i32>} : memref<32x640xi32, #tpu.memory_space<vmem>>, vector<16xi32>,
      %swap3A_161 = arith.index_cast %scan3A_131 : i32 to index
      %swap3A_162 = arith.constant 160 : index
      %swap3A_163 = tpu.vector_load %arg8[%swap3A_161, %swap3A_162] {strides = array<i32>} : memref<32x640xi32, #tpu.memory_space<vmem>>, vector<16xi32>,
      tpu.vector_store %arg8[%swap3A_161, %swap3A_162], %broadcast_in_dim3A_5 {strides = array<i32>} : memref<32x640xi32, #tpu.memory_space<vmem>>, vector<16xi32>,
      %swap3A_164 = arith.index_cast %scan3A_131 : i32 to index
      %swap3A_165 = arith.constant 176 : index
      %swap3A_166 = tpu.vector_load %arg8[%swap3A_164, %swap3A_165] {strides = array<i32>} : memref<32x640xi32, #tpu.memory_space<vmem>>, vector<16xi32>,
      tpu.vector_store %arg8[%swap3A_164, %swap3A_165], %broadcast_in_dim3A_5 {strides = array<i32>} : memref<32x640xi32, #tpu.memory_space<vmem>>, vector<16xi32>,
      %swap3A_167 = arith.index_cast %scan3A_131 : i32 to index
      %swap3A_168 = arith.constant 192 : index
      %swap3A_169 = tpu.vector_load %arg8[%swap3A_167, %swap3A_168] {strides = array<i32>} : memref<32x640xi32, #tpu.memory_space<vmem>>, vector<16xi32>,
      tpu.vector_store %arg8[%swap3A_167, %swap3A_168], %broadcast_in_dim3A_5 {strides = array<i32>} : memref<32x640xi32, #tpu.memory_space<vmem>>, vector<16xi32>,
      %swap3A_170 = arith.index_cast %scan3A_131 : i32 to index
      %swap3A_171 = arith.constant 208 : index
      %swap3A_172 = tpu.vector_load %arg8[%swap3A_170, %swap3A_171] {strides = array<i32>} : memref<32x640xi32, #tpu.memory_space<vmem>>, vector<16xi32>,
      tpu.vector_store %arg8[%swap3A_170, %swap3A_171], %broadcast_in_dim3A_5 {strides = array<i32>} : memref<32x640xi32, #tpu.memory_space<vmem>>, vector<16xi32>,
      %swap3A_173 = arith.index_cast %scan3A_131 : i32 to index
      %swap3A_174 = arith.constant 224 : index
      %swap3A_175 = tpu.vector_load %arg8[%swap3A_173, %swap3A_174] {strides = array<i32>} : memref<32x640xi32, #tpu.memory_space<vmem>>, vector<16xi32>,
      tpu.vector_store %arg8[%swap3A_173, %swap3A_174], %broadcast_in_dim3A_5 {strides = array<i32>} : memref<32x640xi32, #tpu.memory_space<vmem>>, vector<16xi32>,
      %swap3A_176 = arith.index_cast %scan3A_131 : i32 to index
      %swap3A_177 = arith.constant 240 : index
      %swap3A_178 = tpu.vector_load %arg8[%swap3A_176, %swap3A_177] {strides = array<i32>} : memref<32x640xi32, #tpu.memory_space<vmem>>, vector<16xi32>,
      tpu.vector_store %arg8[%swap3A_176, %swap3A_177], %broadcast_in_dim3A_5 {strides = array<i32>} : memref<32x640xi32, #tpu.memory_space<vmem>>, vector<16xi32>,
      %swap3A_179 = arith.index_cast %scan3A_131 : i32 to index
      %swap3A_180 = arith.constant 256 : index
      %swap3A_181 = tpu.vector_load %arg8[%swap3A_179, %swap3A_180] {strides = array<i32>} : memref<32x640xi32, #tpu.memory_space<vmem>>, vector<16xi32>,
      tpu.vector_store %arg8[%swap3A_179, %swap3A_180], %broadcast_in_dim3A_5 {strides = array<i32>} : memref<32x640xi32, #tpu.memory_space<vmem>>, vector<16xi32>,
      %swap3A_182 = arith.index_cast %scan3A_131 : i32 to index
      %swap3A_183 = arith.constant 272 : index
      %swap3A_184 = tpu.vector_load %arg8[%swap3A_182, %swap3A_183] {strides = array<i32>} : memref<32x640xi32, #tpu.memory_space<vmem>>, vector<16xi32>,
      tpu.vector_store %arg8[%swap3A_182, %swap3A_183], %broadcast_in_dim3A_5 {strides = array<i32>} : memref<32x640xi32, #tpu.memory_space<vmem>>, vector<16xi32>,
      %swap3A_185 = arith.index_cast %scan3A_131 : i32 to index
      %swap3A_186 = arith.constant 288 : index
      %swap3A_187 = tpu.vector_load %arg8[%swap3A_185, %swap3A_186] {strides = array<i32>} : memref<32x640xi32, #tpu.memory_space<vmem>>, vector<16xi32>,
      tpu.vector_store %arg8[%swap3A_185, %swap3A_186], %broadcast_in_dim3A_5 {strides = array<i32>} : memref<32x640xi32, #tpu.memory_space<vmem>>, vector<16xi32>,
      %swap3A_188 = arith.index_cast %scan3A_131 : i32 to index
      %swap3A_189 = arith.constant 304 : index
      %swap3A_190 = tpu.vector_load %arg8[%swap3A_188, %swap3A_189] {strides = array<i32>} : memref<32x640xi32, #tpu.memory_space<vmem>>, vector<16xi32>,
      tpu.vector_store %arg8[%swap3A_188, %swap3A_189], %broadcast_in_dim3A_5 {strides = array<i32>} : memref<32x640xi32, #tpu.memory_space<vmem>>, vector<16xi32>,
      %swap3A_191 = arith.index_cast %scan3A_131 : i32 to index
      %swap3A_192 = arith.constant 320 : index
      %swap3A_193 = tpu.vector_load %arg8[%swap3A_191, %swap3A_192] {strides = array<i32>} : memref<32x640xi32, #tpu.memory_space<vmem>>, vector<16xi32>,
      tpu.vector_store %arg8[%swap3A_191, %swap3A_192], %broadcast_in_dim3A_5 {strides = array<i32>} : memref<32x640xi32, #tpu.memory_space<vmem>>, vector<16xi32>,
      %swap3A_194 = arith.index_cast %scan3A_131 : i32 to index
      %swap3A_195 = arith.constant 336 : index
      %swap3A_196 = tpu.vector_load %arg8[%swap3A_194, %swap3A_195] {strides = array<i32>} : memref<32x640xi32, #tpu.memory_space<vmem>>, vector<16xi32>,
      tpu.vector_store %arg8[%swap3A_194, %swap3A_195], %broadcast_in_dim3A_5 {strides = array<i32>} : memref<32x640xi32, #tpu.memory_space<vmem>>, vector<16xi32>,
      %swap3A_197 = arith.index_cast %scan3A_131 : i32 to index
      %swap3A_198 = arith.constant 352 : index
      %swap3A_199 = tpu.vector_load %arg8[%swap3A_197, %swap3A_198] {strides = array<i32>} : memref<32x640xi32, #tpu.memory_space<vmem>>, vector<16xi32>,
      tpu.vector_store %arg8[%swap3A_197, %swap3A_198], %broadcast_in_dim3A_5 {strides = array<i32>} : memref<32x640xi32, #tpu.memory_space<vmem>>, vector<16xi32>,
      %swap3A_200 = arith.index_cast %scan3A_131 : i32 to index
      %swap3A_201 = arith.constant 368 : index
      %swap3A_202 = tpu.vector_load %arg8[%swap3A_200, %swap3A_201] {strides = array<i32>} : memref<32x640xi32, #tpu.memory_space<vmem>>, vector<16xi32>,
      tpu.vector_store %arg8[%swap3A_200, %swap3A_201], %broadcast_in_dim3A_5 {strides = array<i32>} : memref<32x640xi32, #tpu.memory_space<vmem>>, vector<16xi32>,
      %swap3A_203 = arith.index_cast %scan3A_131 : i32 to index
      %swap3A_204 = arith.constant 384 : index
      %swap3A_205 = tpu.vector_load %arg8[%swap3A_203, %swap3A_204] {strides = array<i32>} : memref<32x640xi32, #tpu.memory_space<vmem>>, vector<16xi32>,
      tpu.vector_store %arg8[%swap3A_203, %swap3A_204], %broadcast_in_dim3A_5 {strides = array<i32>} : memref<32x640xi32, #tpu.memory_space<vmem>>, vector<16xi32>,
      %swap3A_206 = arith.index_cast %scan3A_131 : i32 to index
      %swap3A_207 = arith.constant 400 : index
      %swap3A_208 = tpu.vector_load %arg8[%swap3A_206, %swap3A_207] {strides = array<i32>} : memref<32x640xi32, #tpu.memory_space<vmem>>, vector<16xi32>,
      tpu.vector_store %arg8[%swap3A_206, %swap3A_207], %broadcast_in_dim3A_5 {strides = array<i32>} : memref<32x640xi32, #tpu.memory_space<vmem>>, vector<16xi32>,
      %swap3A_209 = arith.index_cast %scan3A_131 : i32 to index
      %swap3A_210 = arith.constant 416 : index
      %swap3A_211 = tpu.vector_load %arg8[%swap3A_209, %swap3A_210] {strides = array<i32>} : memref<32x640xi32, #tpu.memory_space<vmem>>, vector<16xi32>,
      tpu.vector_store %arg8[%swap3A_209, %swap3A_210], %broadcast_in_dim3A_5 {strides = array<i32>} : memref<32x640xi32, #tpu.memory_space<vmem>>, vector<16xi32>,
      %swap3A_212 = arith.index_cast %scan3A_131 : i32 to index
      %swap3A_213 = arith.constant 432 : index
      %swap3A_214 = tpu.vector_load %arg8[%swap3A_212, %swap3A_213] {strides = array<i32>} : memref<32x640xi32, #tpu.memory_space<vmem>>, vector<16xi32>,
      tpu.vector_store %arg8[%swap3A_212, %swap3A_213], %broadcast_in_dim3A_5 {strides = array<i32>} : memref<32x640xi32, #tpu.memory_space<vmem>>, vector<16xi32>,
      %swap3A_215 = arith.index_cast %scan3A_131 : i32 to index
      %swap3A_216 = arith.constant 448 : index
      %swap3A_217 = tpu.vector_load %arg8[%swap3A_215, %swap3A_216] {strides = array<i32>} : memref<32x640xi32, #tpu.memory_space<vmem>>, vector<16xi32>,
      tpu.vector_store %arg8[%swap3A_215, %swap3A_216], %broadcast_in_dim3A_5 {strides = array<i32>} : memref<32x640xi32, #tpu.memory_space<vmem>>, vector<16xi32>,
      %swap3A_218 = arith.index_cast %scan3A_131 : i32 to index
      %swap3A_219 = arith.constant 464 : index
      %swap3A_220 = tpu.vector_load %arg8[%swap3A_218, %swap3A_219] {strides = array<i32>} : memref<32x640xi32, #tpu.memory_space<vmem>>, vector<16xi32>,
      tpu.vector_store %arg8[%swap3A_218, %swap3A_219], %broadcast_in_dim3A_5 {strides = array<i32>} : memref<32x640xi32, #tpu.memory_space<vmem>>, vector<16xi32>,
      %swap3A_221 = arith.index_cast %scan3A_131 : i32 to index
      %swap3A_222 = arith.constant 480 : index
      %swap3A_223 = tpu.vector_load %arg8[%swap3A_221, %swap3A_222] {strides = array<i32>} : memref<32x640xi32, #tpu.memory_space<vmem>>, vector<16xi32>,
      tpu.vector_store %arg8[%swap3A_221, %swap3A_222], %broadcast_in_dim3A_5 {strides = array<i32>} : memref<32x640xi32, #tpu.memory_space<vmem>>, vector<16xi32>,
      %swap3A_224 = arith.index_cast %scan3A_131 : i32 to index
      %swap3A_225 = arith.constant 496 : index
      %swap3A_226 = tpu.vector_load %arg8[%swap3A_224, %swap3A_225] {strides = array<i32>} : memref<32x640xi32, #tpu.memory_space<vmem>>, vector<16xi32>,
      tpu.vector_store %arg8[%swap3A_224, %swap3A_225], %broadcast_in_dim3A_5 {strides = array<i32>} : memref<32x640xi32, #tpu.memory_space<vmem>>, vector<16xi32>,
      %swap3A_227 = arith.index_cast %scan3A_131 : i32 to index
      %swap3A_228 = arith.constant 512 : index
      %swap3A_229 = tpu.vector_load %arg8[%swap3A_227, %swap3A_228] {strides = array<i32>} : memref<32x640xi32, #tpu.memory_space<vmem>>, vector<16xi32>,
      tpu.vector_store %arg8[%swap3A_227, %swap3A_228], %broadcast_in_dim3A_5 {strides = array<i32>} : memref<32x640xi32, #tpu.memory_space<vmem>>, vector<16xi32>,
      %swap3A_230 = arith.index_cast %scan3A_131 : i32 to index
      %swap3A_231 = arith.constant 528 : index
      %swap3A_232 = tpu.vector_load %arg8[%swap3A_230, %swap3A_231] {strides = array<i32>} : memref<32x640xi32, #tpu.memory_space<vmem>>, vector<16xi32>,
      tpu.vector_store %arg8[%swap3A_230, %swap3A_231], %broadcast_in_dim3A_5 {strides = array<i32>} : memref<32x640xi32, #tpu.memory_space<vmem>>, vector<16xi32>,
      %swap3A_233 = arith.index_cast %scan3A_131 : i32 to index
      %swap3A_234 = arith.constant 544 : index
      %swap3A_235 = tpu.vector_load %arg8[%swap3A_233, %swap3A_234] {strides = array<i32>} : memref<32x640xi32, #tpu.memory_space<vmem>>, vector<16xi32>,
      tpu.vector_store %arg8[%swap3A_233, %swap3A_234], %broadcast_in_dim3A_5 {strides = array<i32>} : memref<32x640xi32, #tpu.memory_space<vmem>>, vector<16xi32>,
      %swap3A_236 = arith.index_cast %scan3A_131 : i32 to index
      %swap3A_237 = arith.constant 560 : index
      %swap3A_238 = tpu.vector_load %arg8[%swap3A_236, %swap3A_237] {strides = array<i32>} : memref<32x640xi32, #tpu.memory_space<vmem>>, vector<16xi32>,
      tpu.vector_store %arg8[%swap3A_236, %swap3A_237], %broadcast_in_dim3A_5 {strides = array<i32>} : memref<32x640xi32, #tpu.memory_space<vmem>>, vector<16xi32>,
      %swap3A_239 = arith.index_cast %scan3A_131 : i32 to index
      %swap3A_240 = arith.constant 576 : index
      %swap3A_241 = tpu.vector_load %arg8[%swap3A_239, %swap3A_240] {strides = array<i32>} : memref<32x640xi32, #tpu.memory_space<vmem>>, vector<16xi32>,
      tpu.vector_store %arg8[%swap3A_239, %swap3A_240], %broadcast_in_dim3A_5 {strides = array<i32>} : memref<32x640xi32, #tpu.memory_space<vmem>>, vector<16xi32>,
      %swap3A_242 = arith.index_cast %scan3A_131 : i32 to index
      %swap3A_243 = arith.constant 592 : index
      %swap3A_244 = tpu.vector_load %arg8[%swap3A_242, %swap3A_243] {strides = array<i32>} : memref<32x640xi32, #tpu.memory_space<vmem>>, vector<16xi32>,
      tpu.vector_store %arg8[%swap3A_242, %swap3A_243], %broadcast_in_dim3A_5 {strides = array<i32>} : memref<32x640xi32, #tpu.memory_space<vmem>>, vector<16xi32>,
      %swap3A_245 = arith.index_cast %scan3A_131 : i32 to index
      %swap3A_246 = arith.constant 608 : index
      %swap3A_247 = tpu.vector_load %arg8[%swap3A_245, %swap3A_246] {strides = array<i32>} : memref<32x640xi32, #tpu.memory_space<vmem>>, vector<16xi32>,
      tpu.vector_store %arg8[%swap3A_245, %swap3A_246], %broadcast_in_dim3A_5 {strides = array<i32>} : memref<32x640xi32, #tpu.memory_space<vmem>>, vector<16xi32>,
      %swap3A_248 = arith.index_cast %scan3A_131 : i32 to index
      %swap3A_249 = arith.constant 624 : index
      %swap3A_250 = tpu.vector_load %arg8[%swap3A_248, %swap3A_249] {strides = array<i32>} : memref<32x640xi32, #tpu.memory_space<vmem>>, vector<16xi32>,
      tpu.vector_store %arg8[%swap3A_248, %swap3A_249], %broadcast_in_dim3A_5 {strides = array<i32>} : memref<32x640xi32, #tpu.memory_space<vmem>>, vector<16xi32>,
    }
    %scan3A_31 = arith.constant 32 : i32
    %dma_wait3A = arith.constant 0 : i32
    %dma_wait3A_32 = tpu.memref_slice %arg2[%dma_wait3A, %mul3A_2] : memref<50x4096xi32, #tpu.memory_space<hbm>> -> memref<50x128xi32, #tpu.memory_space<hbm>>
    %dma_wait3A_33 = arith.constant 0 : i32
    %dma_wait3A_34 = tpu.memref_slice %arg2[%dma_wait3A_33, %mul3A_2] : memref<50x4096xi32, #tpu.memory_space<hbm>> -> memref<50x128xi32, #tpu.memory_space<hbm>>
    tpu.wait_dma2 semaphore(%arg9 : memref<!tpu.dma_semaphore, #tpu.memory_space<semaphore_mem>>) src(%dma_wait3A_34 : memref<50x128xi32, #tpu.memory_space<hbm>>) dst(%arg5 : memref<50x128xi32, #tpu.memory_space<vmem>>)
    %dma_wait3A_35 = arith.constant 0 : i32
    %dma_wait3A_36 = tpu.memref_slice %arg3[%dma_wait3A_35, %mul3A_2] : memref<50x4096xi32, #tpu.memory_space<hbm>> -> memref<50x128xi32, #tpu.memory_space<hbm>>
    %dma_wait3A_37 = arith.constant 0 : i32
    %dma_wait3A_38 = tpu.memref_slice %arg3[%dma_wait3A_37, %mul3A_2] : memref<50x4096xi32, #tpu.memory_space<hbm>> -> memref<50x128xi32, #tpu.memory_space<hbm>>
    tpu.wait_dma2 semaphore(%arg9 : memref<!tpu.dma_semaphore, #tpu.memory_space<semaphore_mem>>) src(%dma_wait3A_38 : memref<50x128xi32, #tpu.memory_space<hbm>>) dst(%arg6 : memref<50x128xi32, #tpu.memory_space<vmem>>)
    %add3A_39 = arith.constant 0 : i32
    %add3A_40 = vector.broadcast %add3A_39 : i32 to vector<16xi32>
    %add3A_41 = arith.addi %iota3A, %add3A_40 : vector<16xi32>
    %scan3A_42 = arith.constant 0 : i32
    %scan3A_43 = arith.constant 0 : i32
    %scan3A_44 = arith.constant 10 : i32
    %scan3A_45 = arith.addi %scan3A_43, %scan3A_44 : i32
    %scan3A_46 = arith.constant 1 : i32
    scf.for %scan3A_131 = %scan3A_43 to %scan3A_45 step %scan3A_46  : i32 {
      %mul3A_132 = arith.constant 5 : i32
      %mul3A_133 = arith.muli %scan3A_131, %mul3A_132 : i32
      %add3A_134 = arith.constant 0 : i32
      %add3A_135 = arith.addi %mul3A_133, %add3A_134 : i32
      %get3A = arith.index_cast %add3A_135 : i32 to index
      %get3A_136 = arith.constant 0 : index
      %get3A_137 = tpu.vector_load %arg5[%get3A, %get3A_136] {strides = array<i32>} : memref<50x128xi32, #tpu.memory_space<vmem>>, vector<16xi32>,
      tpu.vector_store_idx %arg7[%add3A_41, %get3A_137], %broadcast_in_dim3A_7 {add = true} : memref<32x640xi32, #tpu.memory_space<vmem>>[vector<16xi32>, vector<16xi32>], vector<16xi32>,
      %get3A_138 = arith.index_cast %add3A_135 : i32 to index
      %get3A_139 = arith.constant 0 : index
      %get3A_140 = tpu.vector_load %arg6[%get3A_138, %get3A_139] {strides = array<i32>} : memref<50x128xi32, #tpu.memory_space<vmem>>, vector<16xi32>,
      tpu.vector_store_idx %arg7[%add3A_41, %get3A_140], %broadcast_in_dim3A_9 {add = true} : memref<32x640xi32, #tpu.memory_space<vmem>>[vector<16xi32>, vector<16xi32>], vector<16xi32>,
      %mul3A_141 = arith.constant 5 : i32
      %mul3A_142 = arith.muli %scan3A_131, %mul3A_141 : i32
      %add3A_143 = arith.constant 1 : i32
      %add3A_144 = arith.addi %mul3A_142, %add3A_143 : i32
      %get3A_145 = arith.index_cast %add3A_144 : i32 to index
      %get3A_146 = arith.constant 0 : index
      %get3A_147 = tpu.vector_load %arg5[%get3A_145, %get3A_146] {strides = array<i32>} : memref<50x128xi32, #tpu.memory_space<vmem>>, vector<16xi32>,
      tpu.vector_store_idx %arg7[%add3A_41, %get3A_147], %broadcast_in_dim3A_7 {add = true} : memref<32x640xi32, #tpu.memory_space<vmem>>[vector<16xi32>, vector<16xi32>], vector<16xi32>,
      %get3A_148 = arith.index_cast %add3A_144 : i32 to index
      %get3A_149 = arith.constant 0 : index
      %get3A_150 = tpu.vector_load %arg6[%get3A_148, %get3A_149] {strides = array<i32>} : memref<50x128xi32, #tpu.memory_space<vmem>>, vector<16xi32>,
      tpu.vector_store_idx %arg7[%add3A_41, %get3A_150], %broadcast_in_dim3A_9 {add = true} : memref<32x640xi32, #tpu.memory_space<vmem>>[vector<16xi32>, vector<16xi32>], vector<16xi32>,
      %mul3A_151 = arith.constant 5 : i32
      %mul3A_152 = arith.muli %scan3A_131, %mul3A_151 : i32
      %add3A_153 = arith.constant 2 : i32
      %add3A_154 = arith.addi %mul3A_152, %add3A_153 : i32
      %get3A_155 = arith.index_cast %add3A_154 : i32 to index
      %get3A_156 = arith.constant 0 : index
      %get3A_157 = tpu.vector_load %arg5[%get3A_155, %get3A_156] {strides = array<i32>} : memref<50x128xi32, #tpu.memory_space<vmem>>, vector<16xi32>,
      tpu.vector_store_idx %arg7[%add3A_41, %get3A_157], %broadcast_in_dim3A_7 {add = true} : memref<32x640xi32, #tpu.memory_space<vmem>>[vector<16xi32>, vector<16xi32>], vector<16xi32>,
      %get3A_158 = arith.index_cast %add3A_154 : i32 to index
      %get3A_159 = arith.constant 0 : index
      %get3A_160 = tpu.vector_load %arg6[%get3A_158, %get3A_159] {strides = array<i32>} : memref<50x128xi32, #tpu.memory_space<vmem>>, vector<16xi32>,
      tpu.vector_store_idx %arg7[%add3A_41, %get3A_160], %broadcast_in_dim3A_9 {add = true} : memref<32x640xi32, #tpu.memory_space<vmem>>[vector<16xi32>, vector<16xi32>], vector<16xi32>,
      %mul3A_161 = arith.constant 5 : i32
      %mul3A_162 = arith.muli %scan3A_131, %mul3A_161 : i32
      %add3A_163 = arith.constant 3 : i32
      %add3A_164 = arith.addi %mul3A_162, %add3A_163 : i32
      %get3A_165 = arith.index_cast %add3A_164 : i32 to index
      %get3A_166 = arith.constant 0 : index
      %get3A_167 = tpu.vector_load %arg5[%get3A_165, %get3A_166] {strides = array<i32>} : memref<50x128xi32, #tpu.memory_space<vmem>>, vector<16xi32>,
      tpu.vector_store_idx %arg7[%add3A_41, %get3A_167], %broadcast_in_dim3A_7 {add = true} : memref<32x640xi32, #tpu.memory_space<vmem>>[vector<16xi32>, vector<16xi32>], vector<16xi32>,
      %get3A_168 = arith.index_cast %add3A_164 : i32 to index
      %get3A_169 = arith.constant 0 : index
      %get3A_170 = tpu.vector_load %arg6[%get3A_168, %get3A_169] {strides = array<i32>} : memref<50x128xi32, #tpu.memory_space<vmem>>, vector<16xi32>,
      tpu.vector_store_idx %arg7[%add3A_41, %get3A_170], %broadcast_in_dim3A_9 {add = true} : memref<32x640xi32, #tpu.memory_space<vmem>>[vector<16xi32>, vector<16xi32>], vector<16xi32>,
      %mul3A_171 = arith.constant 5 : i32
      %mul3A_172 = arith.muli %scan3A_131, %mul3A_171 : i32
      %add3A_173 = arith.constant 4 : i32
      %add3A_174 = arith.addi %mul3A_172, %add3A_173 : i32
      %get3A_175 = arith.index_cast %add3A_174 : i32 to index
      %get3A_176 = arith.constant 0 : index
      %get3A_177 = tpu.vector_load %arg5[%get3A_175, %get3A_176] {strides = array<i32>} : memref<50x128xi32, #tpu.memory_space<vmem>>, vector<16xi32>,
      tpu.vector_store_idx %arg7[%add3A_41, %get3A_177], %broadcast_in_dim3A_7 {add = true} : memref<32x640xi32, #tpu.memory_space<vmem>>[vector<16xi32>, vector<16xi32>], vector<16xi32>,
      %get3A_178 = arith.index_cast %add3A_174 : i32 to index
      %get3A_179 = arith.constant 0 : index
      %get3A_180 = tpu.vector_load %arg6[%get3A_178, %get3A_179] {strides = array<i32>} : memref<50x128xi32, #tpu.memory_space<vmem>>, vector<16xi32>,
      tpu.vector_store_idx %arg7[%add3A_41, %get3A_180], %broadcast_in_dim3A_9 {add = true} : memref<32x640xi32, #tpu.memory_space<vmem>>[vector<16xi32>, vector<16xi32>], vector<16xi32>,
    }
    %scan3A_47 = arith.constant 10 : i32
    %add3A_48 = arith.constant 0 : i32
    %add3A_49 = vector.broadcast %add3A_48 : i32 to vector<16xi32>
    %add3A_50 = arith.addi %iota3A, %add3A_49 : vector<16xi32>
    %scan3A_51 = arith.constant 0 : i32
    %scan3A_52 = arith.constant 0 : i32
    %scan3A_53 = arith.constant 10 : i32
    %scan3A_54 = arith.addi %scan3A_52, %scan3A_53 : i32
    %scan3A_55 = arith.constant 1 : i32
    scf.for %scan3A_131 = %scan3A_52 to %scan3A_54 step %scan3A_55  : i32 {
      %mul3A_132 = arith.constant 5 : i32
      %mul3A_133 = arith.muli %scan3A_131, %mul3A_132 : i32
      %add3A_134 = arith.constant 0 : i32
      %add3A_135 = arith.addi %mul3A_133, %add3A_134 : i32
      %get3A = arith.index_cast %add3A_135 : i32 to index
      %get3A_136 = arith.constant 16 : index
      %get3A_137 = tpu.vector_load %arg5[%get3A, %get3A_136] {strides = array<i32>} : memref<50x128xi32, #tpu.memory_space<vmem>>, vector<16xi32>,
      tpu.vector_store_idx %arg7[%add3A_50, %get3A_137], %broadcast_in_dim3A_11 {add = true} : memref<32x640xi32, #tpu.memory_space<vmem>>[vector<16xi32>, vector<16xi32>], vector<16xi32>,
      %get3A_138 = arith.index_cast %add3A_135 : i32 to index
      %get3A_139 = arith.constant 16 : index
      %get3A_140 = tpu.vector_load %arg6[%get3A_138, %get3A_139] {strides = array<i32>} : memref<50x128xi32, #tpu.memory_space<vmem>>, vector<16xi32>,
      tpu.vector_store_idx %arg7[%add3A_50, %get3A_140], %broadcast_in_dim3A_13 {add = true} : memref<32x640xi32, #tpu.memory_space<vmem>>[vector<16xi32>, vector<16xi32>], vector<16xi32>,
      %mul3A_141 = arith.constant 5 : i32
      %mul3A_142 = arith.muli %scan3A_131, %mul3A_141 : i32
      %add3A_143 = arith.constant 1 : i32
      %add3A_144 = arith.addi %mul3A_142, %add3A_143 : i32
      %get3A_145 = arith.index_cast %add3A_144 : i32 to index
      %get3A_146 = arith.constant 16 : index
      %get3A_147 = tpu.vector_load %arg5[%get3A_145, %get3A_146] {strides = array<i32>} : memref<50x128xi32, #tpu.memory_space<vmem>>, vector<16xi32>,
      tpu.vector_store_idx %arg7[%add3A_50, %get3A_147], %broadcast_in_dim3A_11 {add = true} : memref<32x640xi32, #tpu.memory_space<vmem>>[vector<16xi32>, vector<16xi32>], vector<16xi32>,
      %get3A_148 = arith.index_cast %add3A_144 : i32 to index
      %get3A_149 = arith.constant 16 : index
      %get3A_150 = tpu.vector_load %arg6[%get3A_148, %get3A_149] {strides = array<i32>} : memref<50x128xi32, #tpu.memory_space<vmem>>, vector<16xi32>,
      tpu.vector_store_idx %arg7[%add3A_50, %get3A_150], %broadcast_in_dim3A_13 {add = true} : memref<32x640xi32, #tpu.memory_space<vmem>>[vector<16xi32>, vector<16xi32>], vector<16xi32>,
      %mul3A_151 = arith.constant 5 : i32
      %mul3A_152 = arith.muli %scan3A_131, %mul3A_151 : i32
      %add3A_153 = arith.constant 2 : i32
      %add3A_154 = arith.addi %mul3A_152, %add3A_153 : i32
      %get3A_155 = arith.index_cast %add3A_154 : i32 to index
      %get3A_156 = arith.constant 16 : index
      %get3A_157 = tpu.vector_load %arg5[%get3A_155, %get3A_156] {strides = array<i32>} : memref<50x128xi32, #tpu.memory_space<vmem>>, vector<16xi32>,
      tpu.vector_store_idx %arg7[%add3A_50, %get3A_157], %broadcast_in_dim3A_11 {add = true} : memref<32x640xi32, #tpu.memory_space<vmem>>[vector<16xi32>, vector<16xi32>], vector<16xi32>,
      %get3A_158 = arith.index_cast %add3A_154 : i32 to index
      %get3A_159 = arith.constant 16 : index
      %get3A_160 = tpu.vector_load %arg6[%get3A_158, %get3A_159] {strides = array<i32>} : memref<50x128xi32, #tpu.memory_space<vmem>>, vector<16xi32>,
      tpu.vector_store_idx %arg7[%add3A_50, %get3A_160], %broadcast_in_dim3A_13 {add = true} : memref<32x640xi32, #tpu.memory_space<vmem>>[vector<16xi32>, vector<16xi32>], vector<16xi32>,
      %mul3A_161 = arith.constant 5 : i32
      %mul3A_162 = arith.muli %scan3A_131, %mul3A_161 : i32
      %add3A_163 = arith.constant 3 : i32
      %add3A_164 = arith.addi %mul3A_162, %add3A_163 : i32
      %get3A_165 = arith.index_cast %add3A_164 : i32 to index
      %get3A_166 = arith.constant 16 : index
      %get3A_167 = tpu.vector_load %arg5[%get3A_165, %get3A_166] {strides = array<i32>} : memref<50x128xi32, #tpu.memory_space<vmem>>, vector<16xi32>,
      tpu.vector_store_idx %arg7[%add3A_50, %get3A_167], %broadcast_in_dim3A_11 {add = true} : memref<32x640xi32, #tpu.memory_space<vmem>>[vector<16xi32>, vector<16xi32>], vector<16xi32>,
      %get3A_168 = arith.index_cast %add3A_164 : i32 to index
      %get3A_169 = arith.constant 16 : index
      %get3A_170 = tpu.vector_load %arg6[%get3A_168, %get3A_169] {strides = array<i32>} : memref<50x128xi32, #tpu.memory_space<vmem>>, vector<16xi32>,
      tpu.vector_store_idx %arg7[%add3A_50, %get3A_170], %broadcast_in_dim3A_13 {add = true} : memref<32x640xi32, #tpu.memory_space<vmem>>[vector<16xi32>, vector<16xi32>], vector<16xi32>,
      %mul3A_171 = arith.constant 5 : i32
      %mul3A_172 = arith.muli %scan3A_131, %mul3A_171 : i32
      %add3A_173 = arith.constant 4 : i32
      %add3A_174 = arith.addi %mul3A_172, %add3A_173 : i32
      %get3A_175 = arith.index_cast %add3A_174 : i32 to index
      %get3A_176 = arith.constant 16 : index
      %get3A_177 = tpu.vector_load %arg5[%get3A_175, %get3A_176] {strides = array<i32>} : memref<50x128xi32, #tpu.memory_space<vmem>>, vector<16xi32>,
      tpu.vector_store_idx %arg7[%add3A_50, %get3A_177], %broadcast_in_dim3A_11 {add = true} : memref<32x640xi32, #tpu.memory_space<vmem>>[vector<16xi32>, vector<16xi32>], vector<16xi32>,
      %get3A_178 = arith.index_cast %add3A_174 : i32 to index
      %get3A_179 = arith.constant 16 : index
      %get3A_180 = tpu.vector_load %arg6[%get3A_178, %get3A_179] {strides = array<i32>} : memref<50x128xi32, #tpu.memory_space<vmem>>, vector<16xi32>,
      tpu.vector_store_idx %arg7[%add3A_50, %get3A_180], %broadcast_in_dim3A_13 {add = true} : memref<32x640xi32, #tpu.memory_space<vmem>>[vector<16xi32>, vector<16xi32>], vector<16xi32>,
    }
    %scan3A_56 = arith.constant 10 : i32
    %add3A_57 = arith.constant 16 : i32
    %add3A_58 = vector.broadcast %add3A_57 : i32 to vector<16xi32>
    %add3A_59 = arith.addi %iota3A, %add3A_58 : vector<16xi32>
    %scan3A_60 = arith.constant 0 : i32
    %scan3A_61 = arith.constant 0 : i32
    %scan3A_62 = arith.constant 10 : i32
    %scan3A_63 = arith.addi %scan3A_61, %scan3A_62 : i32
    %scan3A_64 = arith.constant 1 : i32
    scf.for %scan3A_131 = %scan3A_61 to %scan3A_63 step %scan3A_64  : i32 {
      %mul3A_132 = arith.constant 5 : i32
      %mul3A_133 = arith.muli %scan3A_131, %mul3A_132 : i32
      %add3A_134 = arith.constant 0 : i32
      %add3A_135 = arith.addi %mul3A_133, %add3A_134 : i32
      %get3A = arith.index_cast %add3A_135 : i32 to index
      %get3A_136 = arith.constant 32 : index
      %get3A_137 = tpu.vector_load %arg5[%get3A, %get3A_136] {strides = array<i32>} : memref<50x128xi32, #tpu.memory_space<vmem>>, vector<16xi32>,
      tpu.vector_store_idx %arg7[%add3A_59, %get3A_137], %broadcast_in_dim3A_7 {add = true} : memref<32x640xi32, #tpu.memory_space<vmem>>[vector<16xi32>, vector<16xi32>], vector<16xi32>,
      %get3A_138 = arith.index_cast %add3A_135 : i32 to index
      %get3A_139 = arith.constant 32 : index
      %get3A_140 = tpu.vector_load %arg6[%get3A_138, %get3A_139] {strides = array<i32>} : memref<50x128xi32, #tpu.memory_space<vmem>>, vector<16xi32>,
      tpu.vector_store_idx %arg7[%add3A_59, %get3A_140], %broadcast_in_dim3A_9 {add = true} : memref<32x640xi32, #tpu.memory_space<vmem>>[vector<16xi32>, vector<16xi32>], vector<16xi32>,
      %mul3A_141 = arith.constant 5 : i32
      %mul3A_142 = arith.muli %scan3A_131, %mul3A_141 : i32
      %add3A_143 = arith.constant 1 : i32
      %add3A_144 = arith.addi %mul3A_142, %add3A_143 : i32
      %get3A_145 = arith.index_cast %add3A_144 : i32 to index
      %get3A_146 = arith.constant 32 : index
      %get3A_147 = tpu.vector_load %arg5[%get3A_145, %get3A_146] {strides = array<i32>} : memref<50x128xi32, #tpu.memory_space<vmem>>, vector<16xi32>,
      tpu.vector_store_idx %arg7[%add3A_59, %get3A_147], %broadcast_in_dim3A_7 {add = true} : memref<32x640xi32, #tpu.memory_space<vmem>>[vector<16xi32>, vector<16xi32>], vector<16xi32>,
      %get3A_148 = arith.index_cast %add3A_144 : i32 to index
      %get3A_149 = arith.constant 32 : index
      %get3A_150 = tpu.vector_load %arg6[%get3A_148, %get3A_149] {strides = array<i32>} : memref<50x128xi32, #tpu.memory_space<vmem>>, vector<16xi32>,
      tpu.vector_store_idx %arg7[%add3A_59, %get3A_150], %broadcast_in_dim3A_9 {add = true} : memref<32x640xi32, #tpu.memory_space<vmem>>[vector<16xi32>, vector<16xi32>], vector<16xi32>,
      %mul3A_151 = arith.constant 5 : i32
      %mul3A_152 = arith.muli %scan3A_131, %mul3A_151 : i32
      %add3A_153 = arith.constant 2 : i32
      %add3A_154 = arith.addi %mul3A_152, %add3A_153 : i32
      %get3A_155 = arith.index_cast %add3A_154 : i32 to index
      %get3A_156 = arith.constant 32 : index
      %get3A_157 = tpu.vector_load %arg5[%get3A_155, %get3A_156] {strides = array<i32>} : memref<50x128xi32, #tpu.memory_space<vmem>>, vector<16xi32>,
      tpu.vector_store_idx %arg7[%add3A_59, %get3A_157], %broadcast_in_dim3A_7 {add = true} : memref<32x640xi32, #tpu.memory_space<vmem>>[vector<16xi32>, vector<16xi32>], vector<16xi32>,
      %get3A_158 = arith.index_cast %add3A_154 : i32 to index
      %get3A_159 = arith.constant 32 : index
      %get3A_160 = tpu.vector_load %arg6[%get3A_158, %get3A_159] {strides = array<i32>} : memref<50x128xi32, #tpu.memory_space<vmem>>, vector<16xi32>,
      tpu.vector_store_idx %arg7[%add3A_59, %get3A_160], %broadcast_in_dim3A_9 {add = true} : memref<32x640xi32, #tpu.memory_space<vmem>>[vector<16xi32>, vector<16xi32>], vector<16xi32>,
      %mul3A_161 = arith.constant 5 : i32
      %mul3A_162 = arith.muli %scan3A_131, %mul3A_161 : i32
      %add3A_163 = arith.constant 3 : i32
      %add3A_164 = arith.addi %mul3A_162, %add3A_163 : i32
      %get3A_165 = arith.index_cast %add3A_164 : i32 to index
      %get3A_166 = arith.constant 32 : index
      %get3A_167 = tpu.vector_load %arg5[%get3A_165, %get3A_166] {strides = array<i32>} : memref<50x128xi32, #tpu.memory_space<vmem>>, vector<16xi32>,
      tpu.vector_store_idx %arg7[%add3A_59, %get3A_167], %broadcast_in_dim3A_7 {add = true} : memref<32x640xi32, #tpu.memory_space<vmem>>[vector<16xi32>, vector<16xi32>], vector<16xi32>,
      %get3A_168 = arith.index_cast %add3A_164 : i32 to index
      %get3A_169 = arith.constant 32 : index
      %get3A_170 = tpu.vector_load %arg6[%get3A_168, %get3A_169] {strides = array<i32>} : memref<50x128xi32, #tpu.memory_space<vmem>>, vector<16xi32>,
      tpu.vector_store_idx %arg7[%add3A_59, %get3A_170], %broadcast_in_dim3A_9 {add = true} : memref<32x640xi32, #tpu.memory_space<vmem>>[vector<16xi32>, vector<16xi32>], vector<16xi32>,
      %mul3A_171 = arith.constant 5 : i32
      %mul3A_172 = arith.muli %scan3A_131, %mul3A_171 : i32
      %add3A_173 = arith.constant 4 : i32
      %add3A_174 = arith.addi %mul3A_172, %add3A_173 : i32
      %get3A_175 = arith.index_cast %add3A_174 : i32 to index
      %get3A_176 = arith.constant 32 : index
      %get3A_177 = tpu.vector_load %arg5[%get3A_175, %get3A_176] {strides = array<i32>} : memref<50x128xi32, #tpu.memory_space<vmem>>, vector<16xi32>,
      tpu.vector_store_idx %arg7[%add3A_59, %get3A_177], %broadcast_in_dim3A_7 {add = true} : memref<32x640xi32, #tpu.memory_space<vmem>>[vector<16xi32>, vector<16xi32>], vector<16xi32>,
      %get3A_178 = arith.index_cast %add3A_174 : i32 to index
      %get3A_179 = arith.constant 32 : index
      %get3A_180 = tpu.vector_load %arg6[%get3A_178, %get3A_179] {strides = array<i32>} : memref<50x128xi32, #tpu.memory_space<vmem>>, vector<16xi32>,
      tpu.vector_store_idx %arg7[%add3A_59, %get3A_180], %broadcast_in_dim3A_9 {add = true} : memref<32x640xi32, #tpu.memory_space<vmem>>[vector<16xi32>, vector<16xi32>], vector<16xi32>,
    }
    %scan3A_65 = arith.constant 10 : i32
    %add3A_66 = arith.constant 16 : i32
    %add3A_67 = vector.broadcast %add3A_66 : i32 to vector<16xi32>
    %add3A_68 = arith.addi %iota3A, %add3A_67 : vector<16xi32>
    %scan3A_69 = arith.constant 0 : i32
    %scan3A_70 = arith.constant 0 : i32
    %scan3A_71 = arith.constant 10 : i32
    %scan3A_72 = arith.addi %scan3A_70, %scan3A_71 : i32
    %scan3A_73 = arith.constant 1 : i32
    scf.for %scan3A_131 = %scan3A_70 to %scan3A_72 step %scan3A_73  : i32 {
      %mul3A_132 = arith.constant 5 : i32
      %mul3A_133 = arith.muli %scan3A_131, %mul3A_132 : i32
      %add3A_134 = arith.constant 0 : i32
      %add3A_135 = arith.addi %mul3A_133, %add3A_134 : i32
      %get3A = arith.index_cast %add3A_135 : i32 to index
      %get3A_136 = arith.constant 48 : index
      %get3A_137 = tpu.vector_load %arg5[%get3A, %get3A_136] {strides = array<i32>} : memref<50x128xi32, #tpu.memory_space<vmem>>, vector<16xi32>,
      tpu.vector_store_idx %arg7[%add3A_68, %get3A_137], %broadcast_in_dim3A_11 {add = true} : memref<32x640xi32, #tpu.memory_space<vmem>>[vector<16xi32>, vector<16xi32>], vector<16xi32>,
      %get3A_138 = arith.index_cast %add3A_135 : i32 to index
      %get3A_139 = arith.constant 48 : index
      %get3A_140 = tpu.vector_load %arg6[%get3A_138, %get3A_139] {strides = array<i32>} : memref<50x128xi32, #tpu.memory_space<vmem>>, vector<16xi32>,
      tpu.vector_store_idx %arg7[%add3A_68, %get3A_140], %broadcast_in_dim3A_13 {add = true} : memref<32x640xi32, #tpu.memory_space<vmem>>[vector<16xi32>, vector<16xi32>], vector<16xi32>,
      %mul3A_141 = arith.constant 5 : i32
      %mul3A_142 = arith.muli %scan3A_131, %mul3A_141 : i32
      %add3A_143 = arith.constant 1 : i32
      %add3A_144 = arith.addi %mul3A_142, %add3A_143 : i32
      %get3A_145 = arith.index_cast %add3A_144 : i32 to index
      %get3A_146 = arith.constant 48 : index
      %get3A_147 = tpu.vector_load %arg5[%get3A_145, %get3A_146] {strides = array<i32>} : memref<50x128xi32, #tpu.memory_space<vmem>>, vector<16xi32>,
      tpu.vector_store_idx %arg7[%add3A_68, %get3A_147], %broadcast_in_dim3A_11 {add = true} : memref<32x640xi32, #tpu.memory_space<vmem>>[vector<16xi32>, vector<16xi32>], vector<16xi32>,
      %get3A_148 = arith.index_cast %add3A_144 : i32 to index
      %get3A_149 = arith.constant 48 : index
      %get3A_150 = tpu.vector_load %arg6[%get3A_148, %get3A_149] {strides = array<i32>} : memref<50x128xi32, #tpu.memory_space<vmem>>, vector<16xi32>,
      tpu.vector_store_idx %arg7[%add3A_68, %get3A_150], %broadcast_in_dim3A_13 {add = true} : memref<32x640xi32, #tpu.memory_space<vmem>>[vector<16xi32>, vector<16xi32>], vector<16xi32>,
      %mul3A_151 = arith.constant 5 : i32
      %mul3A_152 = arith.muli %scan3A_131, %mul3A_151 : i32
      %add3A_153 = arith.constant 2 : i32
      %add3A_154 = arith.addi %mul3A_152, %add3A_153 : i32
      %get3A_155 = arith.index_cast %add3A_154 : i32 to index
      %get3A_156 = arith.constant 48 : index
      %get3A_157 = tpu.vector_load %arg5[%get3A_155, %get3A_156] {strides = array<i32>} : memref<50x128xi32, #tpu.memory_space<vmem>>, vector<16xi32>,
      tpu.vector_store_idx %arg7[%add3A_68, %get3A_157], %broadcast_in_dim3A_11 {add = true} : memref<32x640xi32, #tpu.memory_space<vmem>>[vector<16xi32>, vector<16xi32>], vector<16xi32>,
      %get3A_158 = arith.index_cast %add3A_154 : i32 to index
      %get3A_159 = arith.constant 48 : index
      %get3A_160 = tpu.vector_load %arg6[%get3A_158, %get3A_159] {strides = array<i32>} : memref<50x128xi32, #tpu.memory_space<vmem>>, vector<16xi32>,
      tpu.vector_store_idx %arg7[%add3A_68, %get3A_160], %broadcast_in_dim3A_13 {add = true} : memref<32x640xi32, #tpu.memory_space<vmem>>[vector<16xi32>, vector<16xi32>], vector<16xi32>,
      %mul3A_161 = arith.constant 5 : i32
      %mul3A_162 = arith.muli %scan3A_131, %mul3A_161 : i32
      %add3A_163 = arith.constant 3 : i32
      %add3A_164 = arith.addi %mul3A_162, %add3A_163 : i32
      %get3A_165 = arith.index_cast %add3A_164 : i32 to index
      %get3A_166 = arith.constant 48 : index
      %get3A_167 = tpu.vector_load %arg5[%get3A_165, %get3A_166] {strides = array<i32>} : memref<50x128xi32, #tpu.memory_space<vmem>>, vector<16xi32>,
      tpu.vector_store_idx %arg7[%add3A_68, %get3A_167], %broadcast_in_dim3A_11 {add = true} : memref<32x640xi32, #tpu.memory_space<vmem>>[vector<16xi32>, vector<16xi32>], vector<16xi32>,
      %get3A_168 = arith.index_cast %add3A_164 : i32 to index
      %get3A_169 = arith.constant 48 : index
      %get3A_170 = tpu.vector_load %arg6[%get3A_168, %get3A_169] {strides = array<i32>} : memref<50x128xi32, #tpu.memory_space<vmem>>, vector<16xi32>,
      tpu.vector_store_idx %arg7[%add3A_68, %get3A_170], %broadcast_in_dim3A_13 {add = true} : memref<32x640xi32, #tpu.memory_space<vmem>>[vector<16xi32>, vector<16xi32>], vector<16xi32>,
      %mul3A_171 = arith.constant 5 : i32
      %mul3A_172 = arith.muli %scan3A_131, %mul3A_171 : i32
      %add3A_173 = arith.constant 4 : i32
      %add3A_174 = arith.addi %mul3A_172, %add3A_173 : i32
      %get3A_175 = arith.index_cast %add3A_174 : i32 to index
      %get3A_176 = arith.constant 48 : index
      %get3A_177 = tpu.vector_load %arg5[%get3A_175, %get3A_176] {strides = array<i32>} : memref<50x128xi32, #tpu.memory_space<vmem>>, vector<16xi32>,
      tpu.vector_store_idx %arg7[%add3A_68, %get3A_177], %broadcast_in_dim3A_11 {add = true} : memref<32x640xi32, #tpu.memory_space<vmem>>[vector<16xi32>, vector<16xi32>], vector<16xi32>,
      %get3A_178 = arith.index_cast %add3A_174 : i32 to index
      %get3A_179 = arith.constant 48 : index
      %get3A_180 = tpu.vector_load %arg6[%get3A_178, %get3A_179] {strides = array<i32>} : memref<50x128xi32, #tpu.memory_space<vmem>>, vector<16xi32>,
      tpu.vector_store_idx %arg7[%add3A_68, %get3A_180], %broadcast_in_dim3A_13 {add = true} : memref<32x640xi32, #tpu.memory_space<vmem>>[vector<16xi32>, vector<16xi32>], vector<16xi32>,
    }
    %scan3A_74 = arith.constant 10 : i32
    %add3A_75 = arith.constant 0 : i32
    %add3A_76 = arith.addi %mul3A_4, %add3A_75 : i32
    %dma_start3A_77 = arith.constant 0 : i32
    %dma_start3A_78 = tpu.memref_slice %arg4[%add3A_76, %dma_start3A_77] : memref<2048x640xi32, #tpu.memory_space<hbm>> -> memref<32x640xi32, #tpu.memory_space<hbm>>
    %dma_start3A_79 = arith.constant 0 : i32
    %dma_start3A_80 = tpu.memref_slice %arg4[%add3A_76, %dma_start3A_79] : memref<2048x640xi32, #tpu.memory_space<hbm>> -> memref<32x640xi32, #tpu.memory_space<hbm>>
    tpu.enqueue_dma source(%arg7 : memref<32x640xi32, #tpu.memory_space<vmem>>) target(%dma_start3A_80 : memref<32x640xi32, #tpu.memory_space<hbm>>) target_semaphore(%arg10 : memref<!tpu.dma_semaphore, #tpu.memory_space<semaphore_mem>>)
    %add3A_81 = arith.constant 0 : i32
    %add3A_82 = vector.broadcast %add3A_81 : i32 to vector<16xi32>
    %add3A_83 = arith.addi %iota3A, %add3A_82 : vector<16xi32>
    %scan3A_84 = arith.constant 0 : i32
    %scan3A_85 = arith.constant 0 : i32
    %scan3A_86 = arith.constant 10 : i32
    %scan3A_87 = arith.addi %scan3A_85, %scan3A_86 : i32
    %scan3A_88 = arith.constant 1 : i32
    scf.for %scan3A_131 = %scan3A_85 to %scan3A_87 step %scan3A_88  : i32 {
      %mul3A_132 = arith.constant 5 : i32
      %mul3A_133 = arith.muli %scan3A_131, %mul3A_132 : i32
      %add3A_134 = arith.constant 0 : i32
      %add3A_135 = arith.addi %mul3A_133, %add3A_134 : i32
      %get3A = arith.index_cast %add3A_135 : i32 to index
      %get3A_136 = arith.constant 64 : index
      %get3A_137 = tpu.vector_load %arg5[%get3A, %get3A_136] {strides = array<i32>} : memref<50x128xi32, #tpu.memory_space<vmem>>, vector<16xi32>,
      tpu.vector_store_idx %arg8[%add3A_83, %get3A_137], %broadcast_in_dim3A_7 {add = true} : memref<32x640xi32, #tpu.memory_space<vmem>>[vector<16xi32>, vector<16xi32>], vector<16xi32>,
      %get3A_138 = arith.index_cast %add3A_135 : i32 to index
      %get3A_139 = arith.constant 64 : index
      %get3A_140 = tpu.vector_load %arg6[%get3A_138, %get3A_139] {strides = array<i32>} : memref<50x128xi32, #tpu.memory_space<vmem>>, vector<16xi32>,
      tpu.vector_store_idx %arg8[%add3A_83, %get3A_140], %broadcast_in_dim3A_9 {add = true} : memref<32x640xi32, #tpu.memory_space<vmem>>[vector<16xi32>, vector<16xi32>], vector<16xi32>,
      %mul3A_141 = arith.constant 5 : i32
      %mul3A_142 = arith.muli %scan3A_131, %mul3A_141 : i32
      %add3A_143 = arith.constant 1 : i32
      %add3A_144 = arith.addi %mul3A_142, %add3A_143 : i32
      %get3A_145 = arith.index_cast %add3A_144 : i32 to index
      %get3A_146 = arith.constant 64 : index
      %get3A_147 = tpu.vector_load %arg5[%get3A_145, %get3A_146] {strides = array<i32>} : memref<50x128xi32, #tpu.memory_space<vmem>>, vector<16xi32>,
      tpu.vector_store_idx %arg8[%add3A_83, %get3A_147], %broadcast_in_dim3A_7 {add = true} : memref<32x640xi32, #tpu.memory_space<vmem>>[vector<16xi32>, vector<16xi32>], vector<16xi32>,
      %get3A_148 = arith.index_cast %add3A_144 : i32 to index
      %get3A_149 = arith.constant 64 : index
      %get3A_150 = tpu.vector_load %arg6[%get3A_148, %get3A_149] {strides = array<i32>} : memref<50x128xi32, #tpu.memory_space<vmem>>, vector<16xi32>,
      tpu.vector_store_idx %arg8[%add3A_83, %get3A_150], %broadcast_in_dim3A_9 {add = true} : memref<32x640xi32, #tpu.memory_space<vmem>>[vector<16xi32>, vector<16xi32>], vector<16xi32>,
      %mul3A_151 = arith.constant 5 : i32
      %mul3A_152 = arith.muli %scan3A_131, %mul3A_151 : i32
      %add3A_153 = arith.constant 2 : i32
      %add3A_154 = arith.addi %mul3A_152, %add3A_153 : i32
      %get3A_155 = arith.index_cast %add3A_154 : i32 to index
      %get3A_156 = arith.constant 64 : index
      %get3A_157 = tpu.vector_load %arg5[%get3A_155, %get3A_156] {strides = array<i32>} : memref<50x128xi32, #tpu.memory_space<vmem>>, vector<16xi32>,
      tpu.vector_store_idx %arg8[%add3A_83, %get3A_157], %broadcast_in_dim3A_7 {add = true} : memref<32x640xi32, #tpu.memory_space<vmem>>[vector<16xi32>, vector<16xi32>], vector<16xi32>,
      %get3A_158 = arith.index_cast %add3A_154 : i32 to index
      %get3A_159 = arith.constant 64 : index
      %get3A_160 = tpu.vector_load %arg6[%get3A_158, %get3A_159] {strides = array<i32>} : memref<50x128xi32, #tpu.memory_space<vmem>>, vector<16xi32>,
      tpu.vector_store_idx %arg8[%add3A_83, %get3A_160], %broadcast_in_dim3A_9 {add = true} : memref<32x640xi32, #tpu.memory_space<vmem>>[vector<16xi32>, vector<16xi32>], vector<16xi32>,
      %mul3A_161 = arith.constant 5 : i32
      %mul3A_162 = arith.muli %scan3A_131, %mul3A_161 : i32
      %add3A_163 = arith.constant 3 : i32
      %add3A_164 = arith.addi %mul3A_162, %add3A_163 : i32
      %get3A_165 = arith.index_cast %add3A_164 : i32 to index
      %get3A_166 = arith.constant 64 : index
      %get3A_167 = tpu.vector_load %arg5[%get3A_165, %get3A_166] {strides = array<i32>} : memref<50x128xi32, #tpu.memory_space<vmem>>, vector<16xi32>,
      tpu.vector_store_idx %arg8[%add3A_83, %get3A_167], %broadcast_in_dim3A_7 {add = true} : memref<32x640xi32, #tpu.memory_space<vmem>>[vector<16xi32>, vector<16xi32>], vector<16xi32>,
      %get3A_168 = arith.index_cast %add3A_164 : i32 to index
      %get3A_169 = arith.constant 64 : index
      %get3A_170 = tpu.vector_load %arg6[%get3A_168, %get3A_169] {strides = array<i32>} : memref<50x128xi32, #tpu.memory_space<vmem>>, vector<16xi32>,
      tpu.vector_store_idx %arg8[%add3A_83, %get3A_170], %broadcast_in_dim3A_9 {add = true} : memref<32x640xi32, #tpu.memory_space<vmem>>[vector<16xi32>, vector<16xi32>], vector<16xi32>,
      %mul3A_171 = arith.constant 5 : i32
      %mul3A_172 = arith.muli %scan3A_131, %mul3A_171 : i32
      %add3A_173 = arith.constant 4 : i32
      %add3A_174 = arith.addi %mul3A_172, %add3A_173 : i32
      %get3A_175 = arith.index_cast %add3A_174 : i32 to index
      %get3A_176 = arith.constant 64 : index
      %get3A_177 = tpu.vector_load %arg5[%get3A_175, %get3A_176] {strides = array<i32>} : memref<50x128xi32, #tpu.memory_space<vmem>>, vector<16xi32>,
      tpu.vector_store_idx %arg8[%add3A_83, %get3A_177], %broadcast_in_dim3A_7 {add = true} : memref<32x640xi32, #tpu.memory_space<vmem>>[vector<16xi32>, vector<16xi32>], vector<16xi32>,
      %get3A_178 = arith.index_cast %add3A_174 : i32 to index
      %get3A_179 = arith.constant 64 : index
      %get3A_180 = tpu.vector_load %arg6[%get3A_178, %get3A_179] {strides = array<i32>} : memref<50x128xi32, #tpu.memory_space<vmem>>, vector<16xi32>,
      tpu.vector_store_idx %arg8[%add3A_83, %get3A_180], %broadcast_in_dim3A_9 {add = true} : memref<32x640xi32, #tpu.memory_space<vmem>>[vector<16xi32>, vector<16xi32>], vector<16xi32>,
    }
    %scan3A_89 = arith.constant 10 : i32
    %add3A_90 = arith.constant 0 : i32
    %add3A_91 = vector.broadcast %add3A_90 : i32 to vector<16xi32>
    %add3A_92 = arith.addi %iota3A, %add3A_91 : vector<16xi32>
    %scan3A_93 = arith.constant 0 : i32
    %scan3A_94 = arith.constant 0 : i32
    %scan3A_95 = arith.constant 10 : i32
    %scan3A_96 = arith.addi %scan3A_94, %scan3A_95 : i32
    %scan3A_97 = arith.constant 1 : i32
    scf.for %scan3A_131 = %scan3A_94 to %scan3A_96 step %scan3A_97  : i32 {
      %mul3A_132 = arith.constant 5 : i32
      %mul3A_133 = arith.muli %scan3A_131, %mul3A_132 : i32
      %add3A_134 = arith.constant 0 : i32
      %add3A_135 = arith.addi %mul3A_133, %add3A_134 : i32
      %get3A = arith.index_cast %add3A_135 : i32 to index
      %get3A_136 = arith.constant 80 : index
      %get3A_137 = tpu.vector_load %arg5[%get3A, %get3A_136] {strides = array<i32>} : memref<50x128xi32, #tpu.memory_space<vmem>>, vector<16xi32>,
      tpu.vector_store_idx %arg8[%add3A_92, %get3A_137], %broadcast_in_dim3A_11 {add = true} : memref<32x640xi32, #tpu.memory_space<vmem>>[vector<16xi32>, vector<16xi32>], vector<16xi32>,
      %get3A_138 = arith.index_cast %add3A_135 : i32 to index
      %get3A_139 = arith.constant 80 : index
      %get3A_140 = tpu.vector_load %arg6[%get3A_138, %get3A_139] {strides = array<i32>} : memref<50x128xi32, #tpu.memory_space<vmem>>, vector<16xi32>,
      tpu.vector_store_idx %arg8[%add3A_92, %get3A_140], %broadcast_in_dim3A_13 {add = true} : memref<32x640xi32, #tpu.memory_space<vmem>>[vector<16xi32>, vector<16xi32>], vector<16xi32>,
      %mul3A_141 = arith.constant 5 : i32
      %mul3A_142 = arith.muli %scan3A_131, %mul3A_141 : i32
      %add3A_143 = arith.constant 1 : i32
      %add3A_144 = arith.addi %mul3A_142, %add3A_143 : i32
      %get3A_145 = arith.index_cast %add3A_144 : i32 to index
      %get3A_146 = arith.constant 80 : index
      %get3A_147 = tpu.vector_load %arg5[%get3A_145, %get3A_146] {strides = array<i32>} : memref<50x128xi32, #tpu.memory_space<vmem>>, vector<16xi32>,
      tpu.vector_store_idx %arg8[%add3A_92, %get3A_147], %broadcast_in_dim3A_11 {add = true} : memref<32x640xi32, #tpu.memory_space<vmem>>[vector<16xi32>, vector<16xi32>], vector<16xi32>,
      %get3A_148 = arith.index_cast %add3A_144 : i32 to index
      %get3A_149 = arith.constant 80 : index
      %get3A_150 = tpu.vector_load %arg6[%get3A_148, %get3A_149] {strides = array<i32>} : memref<50x128xi32, #tpu.memory_space<vmem>>, vector<16xi32>,
      tpu.vector_store_idx %arg8[%add3A_92, %get3A_150], %broadcast_in_dim3A_13 {add = true} : memref<32x640xi32, #tpu.memory_space<vmem>>[vector<16xi32>, vector<16xi32>], vector<16xi32>,
      %mul3A_151 = arith.constant 5 : i32
      %mul3A_152 = arith.muli %scan3A_131, %mul3A_151 : i32
      %add3A_153 = arith.constant 2 : i32
      %add3A_154 = arith.addi %mul3A_152, %add3A_153 : i32
      %get3A_155 = arith.index_cast %add3A_154 : i32 to index
      %get3A_156 = arith.constant 80 : index
      %get3A_157 = tpu.vector_load %arg5[%get3A_155, %get3A_156] {strides = array<i32>} : memref<50x128xi32, #tpu.memory_space<vmem>>, vector<16xi32>,
      tpu.vector_store_idx %arg8[%add3A_92, %get3A_157], %broadcast_in_dim3A_11 {add = true} : memref<32x640xi32, #tpu.memory_space<vmem>>[vector<16xi32>, vector<16xi32>], vector<16xi32>,
      %get3A_158 = arith.index_cast %add3A_154 : i32 to index
      %get3A_159 = arith.constant 80 : index
      %get3A_160 = tpu.vector_load %arg6[%get3A_158, %get3A_159] {strides = array<i32>} : memref<50x128xi32, #tpu.memory_space<vmem>>, vector<16xi32>,
      tpu.vector_store_idx %arg8[%add3A_92, %get3A_160], %broadcast_in_dim3A_13 {add = true} : memref<32x640xi32, #tpu.memory_space<vmem>>[vector<16xi32>, vector<16xi32>], vector<16xi32>,
      %mul3A_161 = arith.constant 5 : i32
      %mul3A_162 = arith.muli %scan3A_131, %mul3A_161 : i32
      %add3A_163 = arith.constant 3 : i32
      %add3A_164 = arith.addi %mul3A_162, %add3A_163 : i32
      %get3A_165 = arith.index_cast %add3A_164 : i32 to index
      %get3A_166 = arith.constant 80 : index
      %get3A_167 = tpu.vector_load %arg5[%get3A_165, %get3A_166] {strides = array<i32>} : memref<50x128xi32, #tpu.memory_space<vmem>>, vector<16xi32>,
      tpu.vector_store_idx %arg8[%add3A_92, %get3A_167], %broadcast_in_dim3A_11 {add = true} : memref<32x640xi32, #tpu.memory_space<vmem>>[vector<16xi32>, vector<16xi32>], vector<16xi32>,
      %get3A_168 = arith.index_cast %add3A_164 : i32 to index
      %get3A_169 = arith.constant 80 : index
      %get3A_170 = tpu.vector_load %arg6[%get3A_168, %get3A_169] {strides = array<i32>} : memref<50x128xi32, #tpu.memory_space<vmem>>, vector<16xi32>,
      tpu.vector_store_idx %arg8[%add3A_92, %get3A_170], %broadcast_in_dim3A_13 {add = true} : memref<32x640xi32, #tpu.memory_space<vmem>>[vector<16xi32>, vector<16xi32>], vector<16xi32>,
      %mul3A_171 = arith.constant 5 : i32
      %mul3A_172 = arith.muli %scan3A_131, %mul3A_171 : i32
      %add3A_173 = arith.constant 4 : i32
      %add3A_174 = arith.addi %mul3A_172, %add3A_173 : i32
      %get3A_175 = arith.index_cast %add3A_174 : i32 to index
      %get3A_176 = arith.constant 80 : index
      %get3A_177 = tpu.vector_load %arg5[%get3A_175, %get3A_176] {strides = array<i32>} : memref<50x128xi32, #tpu.memory_space<vmem>>, vector<16xi32>,
      tpu.vector_store_idx %arg8[%add3A_92, %get3A_177], %broadcast_in_dim3A_11 {add = true} : memref<32x640xi32, #tpu.memory_space<vmem>>[vector<16xi32>, vector<16xi32>], vector<16xi32>,
      %get3A_178 = arith.index_cast %add3A_174 : i32 to index
      %get3A_179 = arith.constant 80 : index
      %get3A_180 = tpu.vector_load %arg6[%get3A_178, %get3A_179] {strides = array<i32>} : memref<50x128xi32, #tpu.memory_space<vmem>>, vector<16xi32>,
      tpu.vector_store_idx %arg8[%add3A_92, %get3A_180], %broadcast_in_dim3A_13 {add = true} : memref<32x640xi32, #tpu.memory_space<vmem>>[vector<16xi32>, vector<16xi32>], vector<16xi32>,
    }
    %scan3A_98 = arith.constant 10 : i32
    %add3A_99 = arith.constant 16 : i32
    %add3A_100 = vector.broadcast %add3A_99 : i32 to vector<16xi32>
    %add3A_101 = arith.addi %iota3A, %add3A_100 : vector<16xi32>
    %scan3A_102 = arith.constant 0 : i32
    %scan3A_103 = arith.constant 0 : i32
    %scan3A_104 = arith.constant 10 : i32
    %scan3A_105 = arith.addi %scan3A_103, %scan3A_104 : i32
    %scan3A_106 = arith.constant 1 : i32
    scf.for %scan3A_131 = %scan3A_103 to %scan3A_105 step %scan3A_106  : i32 {
      %mul3A_132 = arith.constant 5 : i32
      %mul3A_133 = arith.muli %scan3A_131, %mul3A_132 : i32
      %add3A_134 = arith.constant 0 : i32
      %add3A_135 = arith.addi %mul3A_133, %add3A_134 : i32
      %get3A = arith.index_cast %add3A_135 : i32 to index
      %get3A_136 = arith.constant 96 : index
      %get3A_137 = tpu.vector_load %arg5[%get3A, %get3A_136] {strides = array<i32>} : memref<50x128xi32, #tpu.memory_space<vmem>>, vector<16xi32>,
      tpu.vector_store_idx %arg8[%add3A_101, %get3A_137], %broadcast_in_dim3A_7 {add = true} : memref<32x640xi32, #tpu.memory_space<vmem>>[vector<16xi32>, vector<16xi32>], vector<16xi32>,
      %get3A_138 = arith.index_cast %add3A_135 : i32 to index
      %get3A_139 = arith.constant 96 : index
      %get3A_140 = tpu.vector_load %arg6[%get3A_138, %get3A_139] {strides = array<i32>} : memref<50x128xi32, #tpu.memory_space<vmem>>, vector<16xi32>,
      tpu.vector_store_idx %arg8[%add3A_101, %get3A_140], %broadcast_in_dim3A_9 {add = true} : memref<32x640xi32, #tpu.memory_space<vmem>>[vector<16xi32>, vector<16xi32>], vector<16xi32>,
      %mul3A_141 = arith.constant 5 : i32
      %mul3A_142 = arith.muli %scan3A_131, %mul3A_141 : i32
      %add3A_143 = arith.constant 1 : i32
      %add3A_144 = arith.addi %mul3A_142, %add3A_143 : i32
      %get3A_145 = arith.index_cast %add3A_144 : i32 to index
      %get3A_146 = arith.constant 96 : index
      %get3A_147 = tpu.vector_load %arg5[%get3A_145, %get3A_146] {strides = array<i32>} : memref<50x128xi32, #tpu.memory_space<vmem>>, vector<16xi32>,
      tpu.vector_store_idx %arg8[%add3A_101, %get3A_147], %broadcast_in_dim3A_7 {add = true} : memref<32x640xi32, #tpu.memory_space<vmem>>[vector<16xi32>, vector<16xi32>], vector<16xi32>,
      %get3A_148 = arith.index_cast %add3A_144 : i32 to index
      %get3A_149 = arith.constant 96 : index
      %get3A_150 = tpu.vector_load %arg6[%get3A_148, %get3A_149] {strides = array<i32>} : memref<50x128xi32, #tpu.memory_space<vmem>>, vector<16xi32>,
      tpu.vector_store_idx %arg8[%add3A_101, %get3A_150], %broadcast_in_dim3A_9 {add = true} : memref<32x640xi32, #tpu.memory_space<vmem>>[vector<16xi32>, vector<16xi32>], vector<16xi32>,
      %mul3A_151 = arith.constant 5 : i32
      %mul3A_152 = arith.muli %scan3A_131, %mul3A_151 : i32
      %add3A_153 = arith.constant 2 : i32
      %add3A_154 = arith.addi %mul3A_152, %add3A_153 : i32
      %get3A_155 = arith.index_cast %add3A_154 : i32 to index
      %get3A_156 = arith.constant 96 : index
      %get3A_157 = tpu.vector_load %arg5[%get3A_155, %get3A_156] {strides = array<i32>} : memref<50x128xi32, #tpu.memory_space<vmem>>, vector<16xi32>,
      tpu.vector_store_idx %arg8[%add3A_101, %get3A_157], %broadcast_in_dim3A_7 {add = true} : memref<32x640xi32, #tpu.memory_space<vmem>>[vector<16xi32>, vector<16xi32>], vector<16xi32>,
      %get3A_158 = arith.index_cast %add3A_154 : i32 to index
      %get3A_159 = arith.constant 96 : index
      %get3A_160 = tpu.vector_load %arg6[%get3A_158, %get3A_159] {strides = array<i32>} : memref<50x128xi32, #tpu.memory_space<vmem>>, vector<16xi32>,
      tpu.vector_store_idx %arg8[%add3A_101, %get3A_160], %broadcast_in_dim3A_9 {add = true} : memref<32x640xi32, #tpu.memory_space<vmem>>[vector<16xi32>, vector<16xi32>], vector<16xi32>,
      %mul3A_161 = arith.constant 5 : i32
      %mul3A_162 = arith.muli %scan3A_131, %mul3A_161 : i32
      %add3A_163 = arith.constant 3 : i32
      %add3A_164 = arith.addi %mul3A_162, %add3A_163 : i32
      %get3A_165 = arith.index_cast %add3A_164 : i32 to index
      %get3A_166 = arith.constant 96 : index
      %get3A_167 = tpu.vector_load %arg5[%get3A_165, %get3A_166] {strides = array<i32>} : memref<50x128xi32, #tpu.memory_space<vmem>>, vector<16xi32>,
      tpu.vector_store_idx %arg8[%add3A_101, %get3A_167], %broadcast_in_dim3A_7 {add = true} : memref<32x640xi32, #tpu.memory_space<vmem>>[vector<16xi32>, vector<16xi32>], vector<16xi32>,
      %get3A_168 = arith.index_cast %add3A_164 : i32 to index
      %get3A_169 = arith.constant 96 : index
      %get3A_170 = tpu.vector_load %arg6[%get3A_168, %get3A_169] {strides = array<i32>} : memref<50x128xi32, #tpu.memory_space<vmem>>, vector<16xi32>,
      tpu.vector_store_idx %arg8[%add3A_101, %get3A_170], %broadcast_in_dim3A_9 {add = true} : memref<32x640xi32, #tpu.memory_space<vmem>>[vector<16xi32>, vector<16xi32>], vector<16xi32>,
      %mul3A_171 = arith.constant 5 : i32
      %mul3A_172 = arith.muli %scan3A_131, %mul3A_171 : i32
      %add3A_173 = arith.constant 4 : i32
      %add3A_174 = arith.addi %mul3A_172, %add3A_173 : i32
      %get3A_175 = arith.index_cast %add3A_174 : i32 to index
      %get3A_176 = arith.constant 96 : index
      %get3A_177 = tpu.vector_load %arg5[%get3A_175, %get3A_176] {strides = array<i32>} : memref<50x128xi32, #tpu.memory_space<vmem>>, vector<16xi32>,
      tpu.vector_store_idx %arg8[%add3A_101, %get3A_177], %broadcast_in_dim3A_7 {add = true} : memref<32x640xi32, #tpu.memory_space<vmem>>[vector<16xi32>, vector<16xi32>], vector<16xi32>,
      %get3A_178 = arith.index_cast %add3A_174 : i32 to index
      %get3A_179 = arith.constant 96 : index
      %get3A_180 = tpu.vector_load %arg6[%get3A_178, %get3A_179] {strides = array<i32>} : memref<50x128xi32, #tpu.memory_space<vmem>>, vector<16xi32>,
      tpu.vector_store_idx %arg8[%add3A_101, %get3A_180], %broadcast_in_dim3A_9 {add = true} : memref<32x640xi32, #tpu.memory_space<vmem>>[vector<16xi32>, vector<16xi32>], vector<16xi32>,
    }
    %scan3A_107 = arith.constant 10 : i32
    %add3A_108 = arith.constant 16 : i32
    %add3A_109 = vector.broadcast %add3A_108 : i32 to vector<16xi32>
    %add3A_110 = arith.addi %iota3A, %add3A_109 : vector<16xi32>
    %scan3A_111 = arith.constant 0 : i32
    %scan3A_112 = arith.constant 0 : i32
    %scan3A_113 = arith.constant 10 : i32
    %scan3A_114 = arith.addi %scan3A_112, %scan3A_113 : i32
    %scan3A_115 = arith.constant 1 : i32
    scf.for %scan3A_131 = %scan3A_112 to %scan3A_114 step %scan3A_115  : i32 {
      %mul3A_132 = arith.constant 5 : i32
      %mul3A_133 = arith.muli %scan3A_131, %mul3A_132 : i32
      %add3A_134 = arith.constant 0 : i32
      %add3A_135 = arith.addi %mul3A_133, %add3A_134 : i32
      %get3A = arith.index_cast %add3A_135 : i32 to index
      %get3A_136 = arith.constant 112 : index
      %get3A_137 = tpu.vector_load %arg5[%get3A, %get3A_136] {strides = array<i32>} : memref<50x128xi32, #tpu.memory_space<vmem>>, vector<16xi32>,
      tpu.vector_store_idx %arg8[%add3A_110, %get3A_137], %broadcast_in_dim3A_11 {add = true} : memref<32x640xi32, #tpu.memory_space<vmem>>[vector<16xi32>, vector<16xi32>], vector<16xi32>,
      %get3A_138 = arith.index_cast %add3A_135 : i32 to index
      %get3A_139 = arith.constant 112 : index
      %get3A_140 = tpu.vector_load %arg6[%get3A_138, %get3A_139] {strides = array<i32>} : memref<50x128xi32, #tpu.memory_space<vmem>>, vector<16xi32>,
      tpu.vector_store_idx %arg8[%add3A_110, %get3A_140], %broadcast_in_dim3A_13 {add = true} : memref<32x640xi32, #tpu.memory_space<vmem>>[vector<16xi32>, vector<16xi32>], vector<16xi32>,
      %mul3A_141 = arith.constant 5 : i32
      %mul3A_142 = arith.muli %scan3A_131, %mul3A_141 : i32
      %add3A_143 = arith.constant 1 : i32
      %add3A_144 = arith.addi %mul3A_142, %add3A_143 : i32
      %get3A_145 = arith.index_cast %add3A_144 : i32 to index
      %get3A_146 = arith.constant 112 : index
      %get3A_147 = tpu.vector_load %arg5[%get3A_145, %get3A_146] {strides = array<i32>} : memref<50x128xi32, #tpu.memory_space<vmem>>, vector<16xi32>,
      tpu.vector_store_idx %arg8[%add3A_110, %get3A_147], %broadcast_in_dim3A_11 {add = true} : memref<32x640xi32, #tpu.memory_space<vmem>>[vector<16xi32>, vector<16xi32>], vector<16xi32>,
      %get3A_148 = arith.index_cast %add3A_144 : i32 to index
      %get3A_149 = arith.constant 112 : index
      %get3A_150 = tpu.vector_load %arg6[%get3A_148, %get3A_149] {strides = array<i32>} : memref<50x128xi32, #tpu.memory_space<vmem>>, vector<16xi32>,
      tpu.vector_store_idx %arg8[%add3A_110, %get3A_150], %broadcast_in_dim3A_13 {add = true} : memref<32x640xi32, #tpu.memory_space<vmem>>[vector<16xi32>, vector<16xi32>], vector<16xi32>,
      %mul3A_151 = arith.constant 5 : i32
      %mul3A_152 = arith.muli %scan3A_131, %mul3A_151 : i32
      %add3A_153 = arith.constant 2 : i32
      %add3A_154 = arith.addi %mul3A_152, %add3A_153 : i32
      %get3A_155 = arith.index_cast %add3A_154 : i32 to index
      %get3A_156 = arith.constant 112 : index
      %get3A_157 = tpu.vector_load %arg5[%get3A_155, %get3A_156] {strides = array<i32>} : memref<50x128xi32, #tpu.memory_space<vmem>>, vector<16xi32>,
      tpu.vector_store_idx %arg8[%add3A_110, %get3A_157], %broadcast_in_dim3A_11 {add = true} : memref<32x640xi32, #tpu.memory_space<vmem>>[vector<16xi32>, vector<16xi32>], vector<16xi32>,
      %get3A_158 = arith.index_cast %add3A_154 : i32 to index
      %get3A_159 = arith.constant 112 : index
      %get3A_160 = tpu.vector_load %arg6[%get3A_158, %get3A_159] {strides = array<i32>} : memref<50x128xi32, #tpu.memory_space<vmem>>, vector<16xi32>,
      tpu.vector_store_idx %arg8[%add3A_110, %get3A_160], %broadcast_in_dim3A_13 {add = true} : memref<32x640xi32, #tpu.memory_space<vmem>>[vector<16xi32>, vector<16xi32>], vector<16xi32>,
      %mul3A_161 = arith.constant 5 : i32
      %mul3A_162 = arith.muli %scan3A_131, %mul3A_161 : i32
      %add3A_163 = arith.constant 3 : i32
      %add3A_164 = arith.addi %mul3A_162, %add3A_163 : i32
      %get3A_165 = arith.index_cast %add3A_164 : i32 to index
      %get3A_166 = arith.constant 112 : index
      %get3A_167 = tpu.vector_load %arg5[%get3A_165, %get3A_166] {strides = array<i32>} : memref<50x128xi32, #tpu.memory_space<vmem>>, vector<16xi32>,
      tpu.vector_store_idx %arg8[%add3A_110, %get3A_167], %broadcast_in_dim3A_11 {add = true} : memref<32x640xi32, #tpu.memory_space<vmem>>[vector<16xi32>, vector<16xi32>], vector<16xi32>,
      %get3A_168 = arith.index_cast %add3A_164 : i32 to index
      %get3A_169 = arith.constant 112 : index
      %get3A_170 = tpu.vector_load %arg6[%get3A_168, %get3A_169] {strides = array<i32>} : memref<50x128xi32, #tpu.memory_space<vmem>>, vector<16xi32>,
      tpu.vector_store_idx %arg8[%add3A_110, %get3A_170], %broadcast_in_dim3A_13 {add = true} : memref<32x640xi32, #tpu.memory_space<vmem>>[vector<16xi32>, vector<16xi32>], vector<16xi32>,
      %mul3A_171 = arith.constant 5 : i32
      %mul3A_172 = arith.muli %scan3A_131, %mul3A_171 : i32
      %add3A_173 = arith.constant 4 : i32
      %add3A_174 = arith.addi %mul3A_172, %add3A_173 : i32
      %get3A_175 = arith.index_cast %add3A_174 : i32 to index
      %get3A_176 = arith.constant 112 : index
      %get3A_177 = tpu.vector_load %arg5[%get3A_175, %get3A_176] {strides = array<i32>} : memref<50x128xi32, #tpu.memory_space<vmem>>, vector<16xi32>,
      tpu.vector_store_idx %arg8[%add3A_110, %get3A_177], %broadcast_in_dim3A_11 {add = true} : memref<32x640xi32, #tpu.memory_space<vmem>>[vector<16xi32>, vector<16xi32>], vector<16xi32>,
      %get3A_178 = arith.index_cast %add3A_174 : i32 to index
      %get3A_179 = arith.constant 112 : index
      %get3A_180 = tpu.vector_load %arg6[%get3A_178, %get3A_179] {strides = array<i32>} : memref<50x128xi32, #tpu.memory_space<vmem>>, vector<16xi32>,
      tpu.vector_store_idx %arg8[%add3A_110, %get3A_180], %broadcast_in_dim3A_13 {add = true} : memref<32x640xi32, #tpu.memory_space<vmem>>[vector<16xi32>, vector<16xi32>], vector<16xi32>,
    }
    %scan3A_116 = arith.constant 10 : i32
    %add3A_117 = arith.constant 32 : i32
    %add3A_118 = arith.addi %mul3A_4, %add3A_117 : i32
    %dma_start3A_119 = arith.constant 0 : i32
    %dma_start3A_120 = tpu.memref_slice %arg4[%add3A_118, %dma_start3A_119] : memref<2048x640xi32, #tpu.memory_space<hbm>> -> memref<32x640xi32, #tpu.memory_space<hbm>>
    %dma_start3A_121 = arith.constant 0 : i32
    %dma_start3A_122 = tpu.memref_slice %arg4[%add3A_118, %dma_start3A_121] : memref<2048x640xi32, #tpu.memory_space<hbm>> -> memref<32x640xi32, #tpu.memory_space<hbm>>
    tpu.enqueue_dma source(%arg8 : memref<32x640xi32, #tpu.memory_space<vmem>>) target(%dma_start3A_122 : memref<32x640xi32, #tpu.memory_space<hbm>>) target_semaphore(%arg11 : memref<!tpu.dma_semaphore, #tpu.memory_space<semaphore_mem>>)
    %dma_wait3A_123 = arith.constant 0 : i32
    %dma_wait3A_124 = tpu.memref_slice %arg4[%add3A_76, %dma_wait3A_123] : memref<2048x640xi32, #tpu.memory_space<hbm>> -> memref<32x640xi32, #tpu.memory_space<hbm>>
    %dma_wait3A_125 = arith.constant 0 : i32
    %dma_wait3A_126 = tpu.memref_slice %arg4[%add3A_76, %dma_wait3A_125] : memref<2048x640xi32, #tpu.memory_space<hbm>> -> memref<32x640xi32, #tpu.memory_space<hbm>>
    tpu.wait_dma2 semaphore(%arg10 : memref<!tpu.dma_semaphore, #tpu.memory_space<semaphore_mem>>) src(%arg7 : memref<32x640xi32, #tpu.memory_space<vmem>>) dst(%dma_wait3A_126 : memref<32x640xi32, #tpu.memory_space<hbm>>)
    %dma_wait3A_127 = arith.constant 0 : i32
    %dma_wait3A_128 = tpu.memref_slice %arg4[%add3A_118, %dma_wait3A_127] : memref<2048x640xi32, #tpu.memory_space<hbm>> -> memref<32x640xi32, #tpu.memory_space<hbm>>
    %dma_wait3A_129 = arith.constant 0 : i32
    %dma_wait3A_130 = tpu.memref_slice %arg4[%add3A_118, %dma_wait3A_129] : memref<2048x640xi32, #tpu.memory_space<hbm>> -> memref<32x640xi32, #tpu.memory_space<hbm>>
    tpu.wait_dma2 semaphore(%arg11 : memref<!tpu.dma_semaphore, #tpu.memory_space<semaphore_mem>>) src(%arg8 : memref<32x640xi32, #tpu.memory_space<vmem>>) dst(%dma_wait3A_130 : memref<32x640xi32, #tpu.memory_space<hbm>>)
    return
  }
}

module attributes {stable_mosaic.version = 14 : i64} {
  func.func @_tc_kernel(%arg0: i32, %arg1: memref<1024x640xi32, #tpu.memory_space<vmem>>, %arg2: memref<640x256xf32, #tpu.memory_space<vmem>>, %arg3: memref<640x256xf32, #tpu.memory_space<vmem>>, %arg4: memref<32x512xf32, #tpu.memory_space<vmem>>, %arg5: memref<1x32xf32, #tpu.memory_space<vmem>>, %arg6: memref<32x32xf32, #tpu.memory_space<vmem>>, %arg7: memref<1x32xf32, #tpu.memory_space<vmem>>, %arg8: memref<1x32xf32, #tpu.memory_space<vmem>>, %arg9: memref<1x1xf32, #tpu.memory_space<vmem>>, %arg10: memref<1x2048xf32, #tpu.memory_space<vmem>>) attributes {dimension_semantics = [#tpu.dimension_semantics<arbitrary>], iteration_bounds = array<i64: 2>, scalar_prefetch = 0 : i64, scratch_operands = 0 : i64, tpu.core_type = #tpu.core_type<tc>, window_params = [{transform_indices = @transform_0, window_bounds = array<i64: 1024, 640>}, {pipeline_mode = #tpu.pipeline_mode<synchronous>, transform_indices = @transform_1, window_bounds = array<i64: 640, 256>}, {pipeline_mode = #tpu.pipeline_mode<synchronous>, transform_indices = @transform_2, window_bounds = array<i64: 640, 256>}, {pipeline_mode = #tpu.pipeline_mode<synchronous>, transform_indices = @transform_3, window_bounds = array<i64: 32, 512>}, {pipeline_mode = #tpu.pipeline_mode<synchronous>, transform_indices = @transform_4, window_bounds = array<i64: 1, 32>}, {pipeline_mode = #tpu.pipeline_mode<synchronous>, transform_indices = @transform_5, window_bounds = array<i64: 32, 32>}, {pipeline_mode = #tpu.pipeline_mode<synchronous>, transform_indices = @transform_6, window_bounds = array<i64: 1, 32>}, {pipeline_mode = #tpu.pipeline_mode<synchronous>, transform_indices = @transform_7, window_bounds = array<i64: 1, 32>}, {pipeline_mode = #tpu.pipeline_mode<synchronous>, transform_indices = @transform_8, window_bounds = array<i64: 1, 1>}, {transform_indices = @transform_9, window_bounds = array<i64: 1, 2048>}]} {
    %get3A = arith.constant 0 : index
    %get3A_0 = arith.constant 0 : index
    %get3A_1 = vector.load %arg1[%get3A, %get3A_0] : memref<1024x640xi32, #tpu.memory_space<vmem>>, vector<1024x640xi32>
    %and3A = arith.constant 255 : i32
    %and3A_2 = vector.broadcast %and3A : i32 to vector<1024x640xi32>
    %and3A_3 = arith.andi %get3A_1, %and3A_2 : vector<1024x640xi32>
    %shift_right_arithmetic3A = arith.constant 16 : i32
    %shift_right_arithmetic3A_4 = vector.broadcast %shift_right_arithmetic3A : i32 to vector<1024x640xi32>
    %shift_right_arithmetic3A_5 = arith.shrsi %get3A_1, %shift_right_arithmetic3A_4 : vector<1024x640xi32>
    %and3A_6 = arith.constant 255 : i32
    %and3A_7 = vector.broadcast %and3A_6 : i32 to vector<1024x640xi32>
    %and3A_8 = arith.andi %shift_right_arithmetic3A_5, %and3A_7 : vector<1024x640xi32>
    %concatenate3A = tpu.concatenate %and3A_3, %and3A_8 in 0 : vector<1024x640xi32>, vector<1024x640xi32> -> vector<2048x640xi32>
    %convert_element_type3A = arith.sitofp %concatenate3A : vector<2048x640xi32> to vector<2048x640xf32>
    %shift_right_arithmetic3A_9 = arith.constant 8 : i32
    %shift_right_arithmetic3A_10 = vector.broadcast %shift_right_arithmetic3A_9 : i32 to vector<1024x640xi32>
    %shift_right_arithmetic3A_11 = arith.shrsi %get3A_1, %shift_right_arithmetic3A_10 : vector<1024x640xi32>
    %and3A_12 = arith.constant 255 : i32
    %and3A_13 = vector.broadcast %and3A_12 : i32 to vector<1024x640xi32>
    %and3A_14 = arith.andi %shift_right_arithmetic3A_11, %and3A_13 : vector<1024x640xi32>
    %shift_right_arithmetic3A_15 = arith.constant 24 : i32
    %shift_right_arithmetic3A_16 = vector.broadcast %shift_right_arithmetic3A_15 : i32 to vector<1024x640xi32>
    %shift_right_arithmetic3A_17 = arith.shrsi %get3A_1, %shift_right_arithmetic3A_16 : vector<1024x640xi32>
    %concatenate3A_18 = tpu.concatenate %and3A_14, %shift_right_arithmetic3A_17 in 0 : vector<1024x640xi32>, vector<1024x640xi32> -> vector<2048x640xi32>
    %convert_element_type3A_19 = arith.sitofp %concatenate3A_18 : vector<2048x640xi32> to vector<2048x640xf32>
    %get3A_20 = arith.constant 0 : index
    %get3A_21 = arith.constant 0 : index
    %get3A_22 = vector.load %arg2[%get3A_20, %get3A_21] : memref<640x256xf32, #tpu.memory_space<vmem>>, vector<640x256xf32>
    %dot_general3A = arith.constant dense<0.000000e+00> : vector<2048x256xf32>
    %dot_general3A_23 = tpu.matmul %convert_element_type3A, %get3A_22, %dot_general3A {dimension_numbers = #tpu.dot_dimension_numbers<[1], [0], [0], [1], [0, 0, 1, 1], [], []>, transpose_lhs_hint = false} : vector<2048x640xf32>, vector<640x256xf32>, vector<2048x256xf32> -> vector<2048x256xf32>
    %get3A_24 = arith.constant 0 : index
    %get3A_25 = arith.constant 0 : index
    %get3A_26 = vector.load %arg3[%get3A_24, %get3A_25] : memref<640x256xf32, #tpu.memory_space<vmem>>, vector<640x256xf32>
    %dot_general3A_27 = arith.constant dense<0.000000e+00> : vector<2048x256xf32>
    %dot_general3A_28 = tpu.matmul %convert_element_type3A_19, %get3A_26, %dot_general3A_27 {dimension_numbers = #tpu.dot_dimension_numbers<[1], [0], [0], [1], [0, 0, 1, 1], [], []>, transpose_lhs_hint = false} : vector<2048x640xf32>, vector<640x256xf32>, vector<2048x256xf32> -> vector<2048x256xf32>
    %max3A = arith.constant 0.000000e+00 : f32
    %max3A_29 = vector.broadcast %max3A : f32 to vector<2048x256xf32>
    %max3A_30 = arith.maximumf %dot_general3A_23, %max3A_29 : vector<2048x256xf32>
    %max3A_31 = arith.constant 0.000000e+00 : f32
    %max3A_32 = vector.broadcast %max3A_31 : f32 to vector<2048x256xf32>
    %max3A_33 = arith.maximumf %dot_general3A_28, %max3A_32 : vector<2048x256xf32>
    %get3A_34 = arith.constant 0 : index
    %get3A_35 = arith.constant 0 : index
    %get3A_36 = vector.load %arg4[%get3A_34, %get3A_35] : memref<32x512xf32, #tpu.memory_space<vmem>>, vector<32x512xf32>
    %slice3A = vector.extract_strided_slice %get3A_36 {offsets = [0, 0], sizes = [32, 256], strides = [1, 1]} : vector<32x512xf32> to vector<32x256xf32>
    %dot_general3A_37 = arith.constant dense<0.000000e+00> : vector<2048x32xf32>
    %dot_general3A_38 = tpu.matmul %max3A_30, %slice3A, %dot_general3A_37 {dimension_numbers = #tpu.dot_dimension_numbers<[1], [1], [0], [0], [0, 0, 1, 0], [], []>, transpose_lhs_hint = false} : vector<2048x256xf32>, vector<32x256xf32>, vector<2048x32xf32> -> vector<2048x32xf32>
    %slice3A_39 = vector.extract_strided_slice %get3A_36 {offsets = [0, 256], sizes = [32, 256], strides = [1, 1]} : vector<32x512xf32> to vector<32x256xf32>
    %dot_general3A_40 = arith.constant dense<0.000000e+00> : vector<2048x32xf32>
    %dot_general3A_41 = tpu.matmul %max3A_33, %slice3A_39, %dot_general3A_40 {dimension_numbers = #tpu.dot_dimension_numbers<[1], [1], [0], [0], [0, 0, 1, 0], [], []>, transpose_lhs_hint = false} : vector<2048x256xf32>, vector<32x256xf32>, vector<2048x32xf32> -> vector<2048x32xf32>
    %add3A = arith.addf %dot_general3A_38, %dot_general3A_41 : vector<2048x32xf32>
    %get3A_42 = arith.constant 0 : index
    %get3A_43 = arith.constant 0 : index
    %get3A_44 = vector.load %arg5[%get3A_42, %get3A_43] : memref<1x32xf32, #tpu.memory_space<vmem>>, vector<1x32xf32>
    %add3A_45 = vector.broadcast %get3A_44 : vector<1x32xf32> to vector<2048x32xf32>
    %add3A_46 = arith.addf %add3A, %add3A_45 : vector<2048x32xf32>
    %max3A_47 = arith.constant 0.000000e+00 : f32
    %max3A_48 = vector.broadcast %max3A_47 : f32 to vector<2048x32xf32>
    %max3A_49 = arith.maximumf %add3A_46, %max3A_48 : vector<2048x32xf32>
    %get3A_50 = arith.constant 0 : index
    %get3A_51 = arith.constant 0 : index
    %get3A_52 = vector.load %arg6[%get3A_50, %get3A_51] : memref<32x32xf32, #tpu.memory_space<vmem>>, vector<32x32xf32>
    %dot_general3A_53 = arith.constant dense<0.000000e+00> : vector<2048x32xf32>
    %dot_general3A_54 = tpu.matmul %max3A_49, %get3A_52, %dot_general3A_53 {dimension_numbers = #tpu.dot_dimension_numbers<[1], [1], [0], [0], [0, 0, 1, 0], [], []>, transpose_lhs_hint = false} : vector<2048x32xf32>, vector<32x32xf32>, vector<2048x32xf32> -> vector<2048x32xf32>
    %get3A_55 = arith.constant 0 : index
    %get3A_56 = arith.constant 0 : index
    %get3A_57 = vector.load %arg7[%get3A_55, %get3A_56] : memref<1x32xf32, #tpu.memory_space<vmem>>, vector<1x32xf32>
    %add3A_58 = vector.broadcast %get3A_57 : vector<1x32xf32> to vector<2048x32xf32>
    %add3A_59 = arith.addf %dot_general3A_54, %add3A_58 : vector<2048x32xf32>
    %max3A_60 = arith.constant 0.000000e+00 : f32
    %max3A_61 = vector.broadcast %max3A_60 : f32 to vector<2048x32xf32>
    %max3A_62 = arith.maximumf %add3A_59, %max3A_61 : vector<2048x32xf32>
    %get3A_63 = arith.constant 0 : index
    %get3A_64 = arith.constant 0 : index
    %get3A_65 = vector.load %arg8[%get3A_63, %get3A_64] : memref<1x32xf32, #tpu.memory_space<vmem>>, vector<1x32xf32>
    %dot_general3A_66 = arith.constant dense<0.000000e+00> : vector<1x2048xf32>
    %dot_general3A_67 = tpu.matmul %get3A_65, %max3A_62, %dot_general3A_66 {dimension_numbers = #tpu.dot_dimension_numbers<[1], [1], [0], [0], [0, 0, 1, 0], [], []>, transpose_lhs_hint = false} : vector<1x32xf32>, vector<2048x32xf32>, vector<1x2048xf32> -> vector<1x2048xf32>
    %get3A_68 = arith.constant 0 : index
    %get3A_69 = arith.constant 0 : index
    %get3A_70 = vector.load %arg9[%get3A_68, %get3A_69] : memref<1x1xf32, #tpu.memory_space<vmem>>, vector<1x1xf32>
    %get3A_71 = vector.extract %get3A_70[0, 0] : f32 from vector<1x1xf32>
    %add3A_72 = vector.broadcast %get3A_71 : f32 to vector<1x2048xf32>
    %add3A_73 = arith.addf %dot_general3A_67, %add3A_72 : vector<1x2048xf32>
    %swap3A = arith.constant 0 : index
    %swap3A_74 = arith.constant 0 : index
    %swap3A_75 = vector.load %arg10[%swap3A, %swap3A_74] : memref<1x2048xf32, #tpu.memory_space<vmem>>, vector<1x2048xf32>
    tpu.vector_store %arg10[%swap3A, %swap3A_74], %add3A_73 {strides = array<i32>} : memref<1x2048xf32, #tpu.memory_space<vmem>>, vector<1x2048xf32>,
    return
  }
  func.func @transform_0(%arg0: i32) -> (i32, i32) {
    %c0_i32 = arith.constant 0 : i32
    %c0_i32_0 = arith.constant 0 : i32
    return %arg0, %c0_i32 : i32, i32
  }
  func.func @transform_1(%arg0: i32) -> (i32, i32) {
    %c0_i32 = arith.constant 0 : i32
    %c0_i32_0 = arith.constant 0 : i32
    %c0_i32_1 = arith.constant 0 : i32
    return %c0_i32, %c0_i32_0 : i32, i32
  }
  func.func @transform_2(%arg0: i32) -> (i32, i32) {
    %c0_i32 = arith.constant 0 : i32
    %c0_i32_0 = arith.constant 0 : i32
    %c0_i32_1 = arith.constant 0 : i32
    return %c0_i32, %c0_i32_0 : i32, i32
  }
  func.func @transform_3(%arg0: i32) -> (i32, i32) {
    %c0_i32 = arith.constant 0 : i32
    %c0_i32_0 = arith.constant 0 : i32
    %c0_i32_1 = arith.constant 0 : i32
    return %c0_i32, %c0_i32_0 : i32, i32
  }
  func.func @transform_4(%arg0: i32) -> (i32, i32) {
    %c0_i32 = arith.constant 0 : i32
    %c0_i32_0 = arith.constant 0 : i32
    %c0_i32_1 = arith.constant 0 : i32
    return %c0_i32, %c0_i32_0 : i32, i32
  }
  func.func @transform_5(%arg0: i32) -> (i32, i32) {
    %c0_i32 = arith.constant 0 : i32
    %c0_i32_0 = arith.constant 0 : i32
    %c0_i32_1 = arith.constant 0 : i32
    return %c0_i32, %c0_i32_0 : i32, i32
  }
  func.func @transform_6(%arg0: i32) -> (i32, i32) {
    %c0_i32 = arith.constant 0 : i32
    %c0_i32_0 = arith.constant 0 : i32
    %c0_i32_1 = arith.constant 0 : i32
    return %c0_i32, %c0_i32_0 : i32, i32
  }
  func.func @transform_7(%arg0: i32) -> (i32, i32) {
    %c0_i32 = arith.constant 0 : i32
    %c0_i32_0 = arith.constant 0 : i32
    %c0_i32_1 = arith.constant 0 : i32
    return %c0_i32, %c0_i32_0 : i32, i32
  }
  func.func @transform_8(%arg0: i32) -> (i32, i32) {
    %c0_i32 = arith.constant 0 : i32
    %c0_i32_0 = arith.constant 0 : i32
    %c0_i32_1 = arith.constant 0 : i32
    return %c0_i32, %c0_i32_0 : i32, i32
  }
  func.func @transform_9(%arg0: i32) -> (i32, i32) {
    %c0_i32 = arith.constant 0 : i32
    %c0_i32_0 = arith.constant 0 : i32
    return %c0_i32, %arg0 : i32, i32
  }
}

</mosaic_0001>

<sc_bundles>
// kernel: kernel.4.cloned.1.call-start
scs
__scs_entry_jumppad:
0x0: {  	(pc) =	sbr.rel $0x88, $3  }
0x1: {  	(tag) =	ssettag $0x0;
	lr =	simm.s32 $0x1  }
0x2: {  	[smem:$0x3F97] =	sst lr;
	_ =	strace $0xD0000000  }
0x3: {  	_ = 	snop  }
0x4: {  	_ = 	snop  }
0x5: {  	_ = 	snop  }
0x6: {  	_ = 	snop  }
0x7: {  	_ = 	snop  }
__scs_overlays_trampoline_lowered:
0x8: {  	[smem:$0x3FA6] =	sst s0  }
0x9: {  	[smem:$0x3FA7] =	sst s1  }
0xa: {  	[smem:$0x3FA8] =	sst s2  }
0xb: {  	[smem:$0x3FA9] =	sst s3  }
0xc: {  	[smem:$0x3FAA] =	sst s4  }
0xd: {  	[smem:$0x3FAB] =	sst s5  }
0xe: {  	[smem:$0x3FAC] =	sst s6  }
0xf: {  	[smem:$0x3FAD] =	sst s7  }
0x10: {  	[smem:$0x3FAE] =	sst s8  }
0x11: {  	[smem:$0x3FAF] =	sst s9;
	s0 =	simm.s32 @!p0 $0x0  }
0x12: {  	s1 =	sld [smem:$0x3F95];
	s0 =	simm.s32 @p0 $0x1  }
0x13: {  	[smem:$0x3FB0] =	sst s0;
	s0 =	simm.s32 @!p1 $0x0  }
0x14: {  	s2 =	sld [smem:$0x3F94];
	s0 =	simm.s32 @p1 $0x1  }
0x15: {  	[smem:$0x3FB1] =	sst s0;
	s0 =	simm.s32 @!p2 $0x0  }
0x16: {  	s3 =	sld [smem:$0x3FDB];
	s0 =	simm.s32 @p2 $0x1  }
0x17: {  	s4 =	simm.s32 $0x1BF5;
	[smem:$0x3FB3] =	sst s0  }
0x18: {  	s0 =	sld [smem:$0x3F96];
	_ =	swait.ge [sflag:s4], $0x0  }
0x19: {  	s7 =	sld [smem:$0x3F97]  }
0x1a: {  	s8 =	sadd.s32 $0xFFFFE003, lr  }
0x1b: {  	s9 =	sadd.s32 $0xFFFFFEF7, lr;
	s5 =	simm.s32 $0xFFFFFFFF;
	p2 =	slt.u32 s8, $0xFFFFF086  }
0x1c: {  	p1 =	slt.u32 s9, $0xF7A;
	s5 =	simm.s32 @!p2 $0x0  }
0x1d: {  	s5 =	simm.s32 @p1 $0x1;
	p0 =	seq.s32 s7, s2  }
0x1e: {  	s7 =	smul.u32 @!p0 $0xF7A, s2;
	p2 =	seq.s32 @!p0 s5, $0x0  }
0x1f: {  	s9 =	smul.u32 $0xF7A, s1;
	s8 =	simm.s32 @!p0 $0x1BF5;
	p2 =	por !p2, p0  }
0x20: {  	[sflag:s8] =	ssyncset.s32 @!p0 $0xFFFFF086;
	s6 =	sadd.s32 @!p0 s3, s7;
	s7 =	simm.s32 @!p0 $0x108  }
0x21: {  	s3 =	sadd.s32 s3, s9;
	s6 =	sadd.s32 @!p0 $0x88, s6;
	s7 =	simm.s32 @p2 $0x1082  }
0x22: {  	[simem:s7], [sflag:s8] =	dma.local @!p0 [hbm:s6], $0xF7A  }
0x23: {  	s9 =	sor.u32 $0xD0000000, s2;
	s6 =	simm.s32 $0x108;
	_ =	swait.ge @!p0 [sflag:s8], $0x0  }
0x24: {  	s3 =	sadd.s32 $0x88, s3;
	s6 =	simm.s32 @!p1 $0x1082;
	[sflag:s4] =	ssyncset.s32 $0xFFFFF086  }
0x25: {  	[simem:s6], [sflag:s4] =	dma.local [hbm:s3], $0xF7A  }
0x26: {  	[smem:$0x3F97] =	sst s1;
	(tag) =	ssettag s2;
	_ =	strace s9  }
0x27: {  	s1 =	sld [smem:$0x3FA7]  }
0x28: {  	s2 =	sld [smem:$0x3FA8]  }
0x29: {  	s4 =	sld [smem:$0x3FAA]  }
0x2a: {  	p0 =	seq.s32 s5, $0x0;
	s5 =	sld [smem:$0x3FAB]  }
0x2b: {  	s6 =	sld [smem:$0x3FAC]  }
0x2c: {  	s7 =	sld [smem:$0x3FAD]  }
0x2d: {  	s3 =	simm.s32 $0x108;
	s8 =	sld [smem:$0x3FAE]  }
0x2e: {  	s3 =	simm.s32 @!p0 $0x1082;
	s9 =	sld [smem:$0x3FAF]  }
0x2f: {  	lr =	sadd.s32 s0, s3;
	s0 =	sld [smem:$0x3FA6]  }
0x30: {  	s3 =	sld [smem:$0x3FA9]  }
0x31: {  	[smem:$0x3FB2] =	sst s10  }
0x32: {  	s10 =	sld [smem:$0x3FB0];
	_ =	sdelay $0x3  }
0x33: {  	p0 =	seq.s32 s10, $0x1;
	s10 =	sld [smem:$0x3FB2];
	_ =	sdelay $0x3  }
0x34: {  	[smem:$0x3FB2] =	sst s10  }
0x35: {  	s10 =	sld [smem:$0x3FB1];
	_ =	sdelay $0x3  }
0x36: {  	p1 =	seq.s32 s10, $0x1;
	s10 =	sld [smem:$0x3FB2];
	_ =	sdelay $0x3  }
0x37: {  	[smem:$0x3FB2] =	sst s10  }
0x38: {  	s10 =	sld [smem:$0x3FB3]  }
0x39: {  	_ = 	snop;
	(pc) =	sbr.ind lr, $3  }
0x3a: {  	_ = 	snop  }
0x3b: {  	_ = 	snop  }
0x3c: {  	p2 =	seq.s32 s10, $0x1;
	s10 =	sld [smem:$0x3FB2]  }
0x3d: {  	_ =	shalt  }
0x3e: {  	_ =	shalt  }
0x3f: {  	_ =	shalt  }
0x40: {  	_ =	shalt  }
0x41: {  	_ =	shalt  }
0x42: {  	_ =	shalt  }
0x43: {  	_ =	shalt  }
0x44: {  	_ =	shalt  }
0x45: {  	_ =	shalt  }
0x46: {  	_ =	shalt  }
0x47: {  	_ =	shalt  }
0x48: {  	_ =	shalt  }
0x49: {  	_ =	shalt  }
0x4a: {  	_ =	shalt  }
0x4b: {  	_ =	shalt  }
0x4c: {  	_ =	shalt  }
0x4d: {  	_ =	shalt  }
0x4e: {  	_ =	shalt  }
0x4f: {  	_ =	shalt  }
0x50: {  	_ =	shalt  }
0x51: {  	_ =	shalt  }
0x52: {  	_ =	shalt  }
0x53: {  	_ =	shalt  }
0x54: {  	_ =	shalt  }
0x55: {  	_ =	shalt  }
0x56: {  	_ =	shalt  }
0x57: {  	_ =	shalt  }
0x58: {  	_ =	shalt  }
0x59: {  	_ =	shalt  }
0x5a: {  	_ =	shalt  }
0x5b: {  	_ =	shalt  }
0x5c: {  	_ =	shalt  }
0x5d: {  	_ =	shalt  }
0x5e: {  	_ =	shalt  }
0x5f: {  	_ =	shalt  }
0x60: {  	_ =	shalt  }
0x61: {  	_ =	shalt  }
0x62: {  	_ =	shalt  }
0x63: {  	_ =	shalt  }
0x64: {  	_ =	shalt  }
0x65: {  	_ =	shalt  }
0x66: {  	_ =	shalt  }
0x67: {  	_ =	shalt  }
0x68: {  	_ =	shalt  }
0x69: {  	_ =	shalt  }
0x6a: {  	_ =	shalt  }
0x6b: {  	_ =	shalt  }
0x6c: {  	_ =	shalt  }
0x6d: {  	_ =	shalt  }
0x6e: {  	_ =	shalt  }
0x6f: {  	_ =	shalt  }
0x70: {  	_ =	shalt  }
0x71: {  	_ =	shalt  }
0x72: {  	_ =	shalt  }
0x73: {  	_ =	shalt  }
0x74: {  	_ =	shalt  }
0x75: {  	_ =	shalt  }
0x76: {  	_ =	shalt  }
0x77: {  	_ =	shalt  }
0x78: {  	_ =	shalt  }
0x79: {  	_ =	shalt  }
0x7a: {  	_ =	shalt  }
0x7b: {  	_ =	shalt  }
0x7c: {  	_ =	shalt  }
0x7d: {  	_ =	shalt  }
0x7e: {  	_ =	shalt  }
0x7f: {  	_ =	shalt  }
0x80: {  	_ =	shalt  }
0x81: {  	_ =	shalt  }
0x82: {  	_ =	shalt  }
0x83: {  	_ =	shalt  }
0x84: {  	_ =	shalt  }
0x85: {  	_ =	shalt  }
0x86: {  	_ =	shalt  }
0x87: {  	_ =	shalt  }
.Lfunc_end0:
.L_simem_size_0:
called_computation_lowered:
.L_overlay_start_0:
0x88: {  	s2 =	sld [smem:$0x3FD9]  }
0x89: {  	s3 =	sld [smem:$0x3FFE];
	_ =	sdelay $0x1  }
0x8a: {  	s1 =	srdreg.scid  }
0x8b: {  	s0 =	sand.u32 $0x1, s1  }
0x8c: {  	s17 =	sshll.u32 s0, $0xA;
	s2 =	sadd.s32 s3, s2  }
0x8d: {  	s2 =	sadd.s32 s2, s17  }
0x8e: {  	[smem:$0x3FBE] =	sst s2  }
0x8f: {  	_ = 	snop  }
0x90: {  	s2 =	sld [smem:$0x3FC9]  }
0x91: {  	s18 =	sld [smem:$0x3FC8];
	(tm) =	ssettm $0x1  }
0x92: {  	s4 =	sld [smem:$0x3FFB];
	_ =	sdelay $0x3  }
0x93: {  	_ =	strace s4  }
0x94: {  	s4 =	sld [smem:$0x3FFC];
	_ =	sdelay $0x3  }
0x95: {  	_ =	strace s4  }
0x96: {  	s4 =	sld [smem:$0x3FFD];
	_ =	sdelay $0x3  }
0x97: {  	_ =	strace s4  }
0x98: {  	_ =	strace $0x8FFFFFFF  }
0x99: {  	s19 =	sld [smem:$0x3FDB];
	_ =	sdelay $0x1  }
0x9a: {  	s5 =	simm.s32 $_scs_section_size  }
0x9b: {  	s6 =	simm.s32 $_size__tile_overlayer_lowered;
	s7 =	simm.s32 $_tile_overlayer_lowered  }
0x9c: {  	s22 =	simm.s32 $0x1BFF;
	s21 =	sshll.u32 s7, $0x1;
	s4 =	sadd.s32 s5, s19  }
0x9d: {  	s8 =	simm.s32 $0x0;
	s20 =	sshll.u32 s6, $0x1;
	s6 =	sadd.s32 s21, s4  }
0x9e: {  	[timem:s8], [sflag:s22] =	dma.local [hbm:s6], s20  }
0x9f: {  	_ =	swait.ge [sflag:s22], s20  }
0xa0: {  	s5 =	ssub.s32 $0x0, s20;
	[sflag:s22] =	ssyncset.done $0x0  }
0xa1: {  	[sflag:s22] =	ssyncadd.s32 s5;
	_ =	sdelay $0x1  }
0xa2: {  	s23 =	simm.s32 $0x1B8B  }
0xa3: {  	_ =	swait.ge [sflag:s23], $0x1  }
0xa4: {  	[sflag:s23] =	ssyncset.done $0x0  }
0xa5: {  	s25 =	simm.s32 $0x1B8E;
	s24 =	sld [smem:$0x3FFE];
	[sflag:s23] =	ssyncadd.s32 $0xFFFFFFFF  }
0xa6: {  	s26 =	simm.s32 $execute0_lowered;
	[smem:$0x3FD2] =	sst s25  }
0xa7: {  	s6 =	sshll.u32 s26, $0x1;
	_ =	strace $0x80000046;
	[dreg:$0x1] =	wrdreg $0xFFFFFFFF  }
0xa8: {  	s28 =	simm.s32 $_size_execute0_lowered;
	s4 =	sadd.s32 s4, s6;
	[dreg:$0x0] =	wrdreg $0x0  }
0xa9: {  	s6 =	sshll.u32 s28, $0x1;
	[dreg:$0x2] =	wrdreg s4  }
0xaa: {  	[dreg:$0x3] =	wrdreg s6  }
0xab: {  	[dreg:$0x4] =	wrdreg $0xC0  }
0xac: {  	_ =	task [dreg:s8], $0x5FFFF  }
0xad: {  	[dreg:$0x1] =	wrdreg $0xFFFFFFFF  }
0xae: {  	[dreg:$0x0] =	wrdreg $0x60  }
0xaf: {  	[dreg:$0x2] =	wrdreg s2  }
0xb0: {  	[dreg:$0x3] =	wrdreg s18  }
0xb1: {  	[dreg:$0x4] =	wrdreg s24  }
0xb2: {  	[dreg:$0x5] =	wrdreg $0x9  }
0xb3: {  	_ =	task.clear_ibuf [dreg:s8], $0x6FFFF;
	_ =	strace $0x90000046  }
0xb4: {  	s29 =	simm.s32 $0x9;
	_ =	strace $0x80000048  }
0xb5: {  	_ =	swait.ge [sflag:s29], $0x1  }
0xb6: {  	[sflag:s29] =	ssyncadd.s32 $0xFFFFFFFF  }
0xb7: {  	_ =	strace $0x90000048  }
0xb8: {  	_ =	sfence  }
0xb9: {  	s30 =	sld [smem:$0x0];
	_ =	sdelay $0x2  }
0xba: {  	s31 =	sshll.u32 s1, $0xD;
	s1 =	sshrl.u32 s1, $0x2  }
0xbb: {  	s3 =	sand.u32 $0x4000, s31;
	s1 =	sadd.s32 s1, s30  }
0xbc: {  	s0 =	sor.u32 s3, s0;
	s1 =	sshll.u32 s1, $0x11  }
0xbd: {  	s0 =	sor.u32 s1, s0  }
0xbe: {  	s0 =	sadd.s32 $0x8F2B, s0  }
0xbf: {  	[sflag:s0] =	ssyncadd.remote.s32 $0x1  }
0xc0: {  	_ =	sfence.sel $0xFFFF  }
0xc1: {  	[dreg:$0x0] =	wrdreg $0xFFFFFFFF;
	(pc) =	sbr.abs _section_cstart, $3  }
0xc2: {  	[dreg:$0x1] =	wrdreg $0xFFFFFFFF  }
0xc3: {  	_ =	task.clear_ibuf [dreg:s8], $0x2FFFF;
	_ =	strace $0x9FFFFFFF  }
0xc4: {  	(tm) =	ssettm $0x7FFFFFFF  }
0xc5: {  	_ =	shalt  }
tec
execute0_lowered:
.L_overlay_start_1:
0x0: {  	(tag) =	ssettag $0x1  }
0x1: {  	v0 =	vimm.s32 $0x1780;
	vm0 =	vcmask $0x300  }
0x2: {  	vm1 =	vcmask $0x704;
	vm2 =	vcmask $0xB08;
	v1 =	vimm.s32 $0x3F80  }
0x3: {  	s3 =	rddreg [dreg:$0x0];
	vm3 =	vcmask $0xF0C;
	vm15 =	vcmask $0x1310;
	v0 =	vsel vm0, $0x0, v0  }
0x4: {  	s5 =	rddreg [dreg:$0x1];
	vm6 =	vcmask $0x1714;
	v1 =	vsel vm0, $0x2800, v1;
	v0 =	vsel vm1, $0x80, v0  }
0x5: {  	s4 =	rddreg [dreg:$0x2];
	vm7 =	vcmask $0x1B18;
	v1 =	vsel vm1, $0x2880, v1;
	v0 =	vsel vm2, $0x100, v0  }
0x6: {  	s0 =	rddreg [dreg:$0x3];
	vm8 =	vcmask $0x1F1C;
	v1 =	vsel vm2, $0x2900, v1;
	v0 =	vsel vm3, $0x180, v0  }
0x7: {  	s6 =	srdreg.scid;
	s1 =	stileid.u32;
	vm9 =	vcmask $0x2320;
	v1 =	vsel vm3, $0x2980, v1;
	v0 =	vsel vm15, $0x200, v0  }
0x8: {  	s2 =	simm.s32 $0x0;
	vm10 =	vcmask $0x2724;
	s12 =	simm.s32 $0x1800;
	s13 =	simm.s32 $0x1C00;
	v1 =	vsel vm15, $0x2A00, v1;
	v0 =	vsel vm6, $0x280, v0  }
0x9: {  	vm11 =	vcmask $0x2B28;
	s14 =	simm.s32 $0x3400;
	s15 =	simm.s32 $0x1;
	s16 =	simm.s32 $0x3800;
	v1 =	vsel vm6, $0x2A80, v1;
	v0 =	vsel vm7, $0x300, v0  }
0xa: {  	vm12 =	vcmask $0x2F2C;
	s17 =	simm.s32 $0x8800;
	s18 =	simm.s32 $0x2;
	s19 =	simm.s32 $0x3;
	v1 =	vsel vm7, $0x2B00, v1;
	v0 =	vsel vm8, $0x380, v0  }
0xb: {  	vm13 =	vcmask $0x3330;
	s20 =	simm.s32 $0x0;
	s6 =	sand.u32 $0x1, s6;
	s7 =	sshll.u32 s1, $0x1;
	v1 =	vsel vm8, $0x2B80, v1;
	v0 =	vsel vm9, $0x1400, v0  }
0xc: {  	vm14 =	vcmask $0x3734;
	[smem:$0x7FF] =	sst s2;
	s8 =	ssub.s32 $0x2, s6;
	s6 =	sor.u32 s6, s7;
	v1 =	vsel vm9, $0x3C00, v1;
	v0 =	vsel vm10, $0x1480, v0  }
0xd: {  	s10 =	sadd.s32 $0x1000, s4;
	_ =	strace $0x80000047;
	s9 =	smul.u32 $0xA000, s6;
	v1 =	vsel vm10, $0x3C80, v1;
	v0 =	vsel vm11, $0x1500, v0  }
0xe: {  	v5 =	vimm.s32 $0x1000000;
	s28 =	sshrl.u32 s8, $0x1;
	s29 =	sshll.u32 s6, $0x7;
	s30 =	smul.u32 $0x1400, s6;
	v1 =	vsel vm11, $0x3D00, v1;
	v0 =	vsel vm12, $0x1580, v0  }
0xf: {  	s11 =	ssub.s32 s8, s28;
	s3 =	sadd.s32 s3, s29;
	s5 =	sadd.s32 s5, s29;
	vm15 =	vcmask $0x3B38;
	v3 =	vsel vm12, $0x3D80, v1;
	v0 =	vsel vm13, $0x1600, v0  }
0x10: {  	s31 =	sshrl.u32 s9, $0x3;
	s4 =	sadd.s32 $0x6000, s3;
	s6 =	sadd.s32 $0x6000, s5;
	v4 =	vsel vm13, $0x3E00, v3;
	v3 =	vimm.s32 $0x100;
	v2 =	vsel vm14, $0x1680, v0  }
0x11: {  	s7 =	sadd.s32 s10, s30;
	s9 =	sadd.s32 s10, s31;
	s10 =	simm.s32 $0x400;
	v0 =	vimm.s32 $0x0;
	v6 =	vsel vm14, $0x3E80, v4;
	v4 =	vimm.s32 $0x10000  }
0x12: {  	s8 =	sadd.s32 $0xA00, s9;
	s9 =	smax.u32 s11, $0x1;
	s11 =	simm.s32 $0x8000;
	v1 =	vsel vm15, $0x1700, v2;
	v2 =	vimm.s32 $0x1;
	v6 =	vsel vm15, $0x3F00, v6  }
.LBB2_1:
0x13: {  	[tilespmem:s2], [sflag:$0x1] =	stream.strided.gather [hbm4b:s3+s10], $0x1800, s11, s10, $0x38;
	[tilespmem:$0xD800] =	vst v63  }
0x14: {  	s21 =	simm.s32 $0x0  }
0x15: {  	s21 =	smul.u32 $0x5000, s21  }
0x16: {  	[tilespmem:s12], [sflag:$0x1] =	stream.linear.gather [hbm4b:s4+s2], $0x100, $0x38;
	[tilespmem:$0xD800] =	vst v63  }
0x17: {  	s22 =	sand.u32 $0x380, s2;
	s21 =	sshra.s32 s21, $0x2  }
0x18: {  	[tilespmem:s13], [sflag:$0x1] =	stream.strided.gather [hbm4b:s5+s10], $0x1800, s11, s10, $0x38;
	[tilespmem:$0xD800] =	vst v63  }
0x19: {  	s21 =	sor.u32 s22, s21  }
0x1a: {  	[tilespmem:s14], [sflag:$0x1] =	stream.linear.gather [hbm4b:s6+s2], $0x100, $0x38;
	[tilespmem:$0xD800] =	vst v63  }
0x1b: {  	[tilespmem:s21+$0x4870] =	vst v0  }
0x1c: {  	[tilespmem:s21+$0x3800] =	vst v0  }
0x1d: {  	[tilespmem:s21+$0x3810] =	vst v0  }
0x1e: {  	[tilespmem:s21+$0x3820] =	vst v0  }
0x1f: {  	[tilespmem:s21+$0x3830] =	vst v0  }
0x20: {  	[tilespmem:s21+$0x3840] =	vst v0  }
0x21: {  	[tilespmem:s21+$0x3850] =	vst v0  }
0x22: {  	[tilespmem:s21+$0x3860] =	vst v0  }
0x23: {  	[tilespmem:s21+$0x3870] =	vst v0  }
0x24: {  	[tilespmem:s21+$0x3C00] =	vst v0  }
0x25: {  	[tilespmem:s21+$0x3C10] =	vst v0  }
0x26: {  	[tilespmem:s21+$0x3C20] =	vst v0  }
0x27: {  	[tilespmem:s21+$0x3C30] =	vst v0  }
0x28: {  	[tilespmem:s21+$0x3C40] =	vst v0  }
0x29: {  	[tilespmem:s21+$0x3C50] =	vst v0  }
0x2a: {  	[tilespmem:s21+$0x3C60] =	vst v0  }
0x2b: {  	[tilespmem:s21+$0x3C70] =	vst v0  }
0x2c: {  	[tilespmem:s21+$0x4000] =	vst v0  }
0x2d: {  	[tilespmem:s21+$0x4010] =	vst v0  }
0x2e: {  	[tilespmem:s21+$0x4020] =	vst v0  }
0x2f: {  	[tilespmem:s21+$0x4030] =	vst v0  }
0x30: {  	[tilespmem:s21+$0x4040] =	vst v0  }
0x31: {  	[tilespmem:s21+$0x4050] =	vst v0  }
0x32: {  	[tilespmem:s21+$0x4060] =	vst v0  }
0x33: {  	[tilespmem:s21+$0x4070] =	vst v0  }
0x34: {  	[tilespmem:s21+$0x4400] =	vst v0  }
0x35: {  	[tilespmem:s21+$0x4410] =	vst v0  }
0x36: {  	[tilespmem:s21+$0x4420] =	vst v0  }
0x37: {  	[tilespmem:s21+$0x4430] =	vst v0  }
0x38: {  	[tilespmem:s21+$0x4440] =	vst v0  }
0x39: {  	[tilespmem:s21+$0x4450] =	vst v0  }
0x3a: {  	[tilespmem:s21+$0x4460] =	vst v0  }
0x3b: {  	[tilespmem:s21+$0x4470] =	vst v0  }
0x3c: {  	[tilespmem:s21+$0x4800] =	vst v0  }
0x3d: {  	[tilespmem:s21+$0x4810] =	vst v0  }
0x3e: {  	s24 =	simm.s32 $0x0;
	s23 =	simm.s32 $0x2;
	s22 =	simm.s32 $0x0;
	[tilespmem:s21+$0x4820] =	vst v0  }
.LBB2_2:
0x3f: {  	p0 =	sne.s32 s23, $0x1F;
	s24 =	smul.u32 $0x5000, s24;
	[tilespmem:s21+$0x4830] =	vst v0  }
0x40: {  	s22 =	sadd.s32 $0x80, s22;
	[tilespmem:s21+$0x4840] =	vst v0  }
0x41: {  	s25 =	sand.u32 $0x380, s22;
	s24 =	sshra.s32 s24, $0x2;
	[tilespmem:s21+$0x4850] =	vst v0  }
0x42: {  	[tilespmem:s21+$0x4860] =	vst v0;
	s21 =	sor.u32 s25, s24  }
0x43: {  	[tilespmem:s21+$0x4870] =	vst v0  }
0x44: {  	[tilespmem:s21+$0x3800] =	vst v0  }
0x45: {  	[tilespmem:s21+$0x3810] =	vst v0  }
0x46: {  	[tilespmem:s21+$0x3820] =	vst v0  }
0x47: {  	[tilespmem:s21+$0x3830] =	vst v0  }
0x48: {  	[tilespmem:s21+$0x3840] =	vst v0  }
0x49: {  	[tilespmem:s21+$0x3850] =	vst v0  }
0x4a: {  	[tilespmem:s21+$0x3860] =	vst v0  }
0x4b: {  	[tilespmem:s21+$0x3870] =	vst v0  }
0x4c: {  	[tilespmem:s21+$0x3C00] =	vst v0  }
0x4d: {  	[tilespmem:s21+$0x3C10] =	vst v0  }
0x4e: {  	[tilespmem:s21+$0x3C20] =	vst v0  }
0x4f: {  	[tilespmem:s21+$0x3C30] =	vst v0  }
0x50: {  	[tilespmem:s21+$0x3C40] =	vst v0  }
0x51: {  	[tilespmem:s21+$0x3C50] =	vst v0  }
0x52: {  	[tilespmem:s21+$0x3C60] =	vst v0  }
0x53: {  	[tilespmem:s21+$0x3C70] =	vst v0  }
0x54: {  	[tilespmem:s21+$0x4000] =	vst v0  }
0x55: {  	[tilespmem:s21+$0x4010] =	vst v0  }
0x56: {  	[tilespmem:s21+$0x4020] =	vst v0  }
0x57: {  	[tilespmem:s21+$0x4030] =	vst v0  }
0x58: {  	[tilespmem:s21+$0x4040] =	vst v0  }
0x59: {  	[tilespmem:s21+$0x4050] =	vst v0  }
0x5a: {  	[tilespmem:s21+$0x4060] =	vst v0  }
0x5b: {  	[tilespmem:s21+$0x4070] =	vst v0  }
0x5c: {  	[tilespmem:s21+$0x4400] =	vst v0  }
0x5d: {  	[tilespmem:s21+$0x4410] =	vst v0  }
0x5e: {  	[tilespmem:s21+$0x4420] =	vst v0  }
0x5f: {  	[tilespmem:s21+$0x4430] =	vst v0  }
0x60: {  	[tilespmem:s21+$0x4440] =	vst v0  }
0x61: {  	[tilespmem:s21+$0x4450] =	vst v0  }
.Ltmp0:
0x62: {  	[tilespmem:s21+$0x4460] =	vst v0;
	(pc) =	sbr.rel @p0 .LBB2_2-.Ltmp0, $4  }
0x63: {  	[tilespmem:s21+$0x4470] =	vst v0  }
0x64: {  	[tilespmem:s21+$0x4800] =	vst v0  }
0x65: {  	[tilespmem:s21+$0x4810] =	vst v0  }
0x66: {  	s24 =	sshrl.u32 s23, $0x3;
	s23 =	sadd.s32 $0x1, s23;
	[tilespmem:s21+$0x4820] =	vst v0  }
0x67: {  	s23 =	smul.u32 $0x5000, s24;
	[tilespmem:s21+$0x4830] =	vst v0  }
0x68: {  	[tilespmem:s21+$0x4840] =	vst v0;
	s22 =	sadd.s32 $0x80, s22  }
0x69: {  	[tilespmem:s21+$0x4850] =	vst v0;
	s22 =	sand.u32 $0x380, s22;
	s23 =	sshra.s32 s23, $0x2  }
0x6a: {  	[tilespmem:s21+$0x4860] =	vst v0;
	s22 =	sor.u32 s22, s23  }
0x6b: {  	[tilespmem:s22+$0x4870] =	vst v0  }
0x6c: {  	[tilespmem:s22+$0x3800] =	vst v0  }
0x6d: {  	[tilespmem:s22+$0x3810] =	vst v0  }
0x6e: {  	[tilespmem:s22+$0x3820] =	vst v0  }
0x6f: {  	[tilespmem:s22+$0x3830] =	vst v0  }
0x70: {  	[tilespmem:s22+$0x3840] =	vst v0  }
0x71: {  	[tilespmem:s22+$0x3850] =	vst v0  }
0x72: {  	[tilespmem:s22+$0x3860] =	vst v0  }
0x73: {  	[tilespmem:s22+$0x3870] =	vst v0  }
0x74: {  	[tilespmem:s22+$0x3C00] =	vst v0  }
0x75: {  	[tilespmem:s22+$0x3C10] =	vst v0  }
0x76: {  	[tilespmem:s22+$0x3C20] =	vst v0  }
0x77: {  	[tilespmem:s22+$0x3C30] =	vst v0  }
0x78: {  	[tilespmem:s22+$0x3C40] =	vst v0  }
0x79: {  	[tilespmem:s22+$0x3C50] =	vst v0  }
0x7a: {  	[tilespmem:s22+$0x3C60] =	vst v0  }
0x7b: {  	[tilespmem:s22+$0x3C70] =	vst v0  }
0x7c: {  	[tilespmem:s22+$0x4000] =	vst v0  }
0x7d: {  	[tilespmem:s22+$0x4010] =	vst v0  }
0x7e: {  	[tilespmem:s22+$0x4020] =	vst v0  }
0x7f: {  	[tilespmem:s22+$0x4030] =	vst v0  }
0x80: {  	[tilespmem:s22+$0x4040] =	vst v0  }
0x81: {  	[tilespmem:s22+$0x4050] =	vst v0  }
0x82: {  	[tilespmem:s22+$0x4060] =	vst v0  }
0x83: {  	[tilespmem:s22+$0x4070] =	vst v0  }
0x84: {  	[tilespmem:s22+$0x4400] =	vst v0  }
0x85: {  	[tilespmem:s22+$0x4410] =	vst v0  }
0x86: {  	[tilespmem:s22+$0x4420] =	vst v0  }
0x87: {  	[tilespmem:s22+$0x4430] =	vst v0  }
0x88: {  	[tilespmem:s22+$0x4440] =	vst v0  }
0x89: {  	[tilespmem:s22+$0x4450] =	vst v0  }
0x8a: {  	[tilespmem:s22+$0x4460] =	vst v0  }
0x8b: {  	[tilespmem:s22+$0x4470] =	vst v0  }
0x8c: {  	[tilespmem:s22+$0x4800] =	vst v0  }
0x8d: {  	[tilespmem:s22+$0x4810] =	vst v0  }
0x8e: {  	s29 =	simm.s32 $0x0;
	[tilespmem:s22+$0x4820] =	vst v0  }
0x8f: {  	s30 =	smul.u32 $0x5000, s29;
	[tilespmem:s22+$0x4830] =	vst v0  }
0x90: {  	s21 =	simm.s32 $0x0;
	[tilespmem:s22+$0x4840] =	vst v0  }
0x91: {  	s31 =	sand.u32 $0x380, s21;
	s23 =	sshra.s32 s30, $0x2;
	[tilespmem:s22+$0x4850] =	vst v0  }
0x92: {  	[tilespmem:s22+$0x4860] =	vst v0;
	s22 =	sor.u32 s31, s23  }
0x93: {  	[tilespmem:s22+$0x9870] =	vst v0  }
0x94: {  	[tilespmem:s22+$0x8800] =	vst v0  }
0x95: {  	[tilespmem:s22+$0x8810] =	vst v0  }
0x96: {  	[tilespmem:s22+$0x8820] =	vst v0  }
0x97: {  	[tilespmem:s22+$0x8830] =	vst v0  }
0x98: {  	[tilespmem:s22+$0x8840] =	vst v0  }
0x99: {  	[tilespmem:s22+$0x8850] =	vst v0  }
0x9a: {  	[tilespmem:s22+$0x8860] =	vst v0  }
0x9b: {  	[tilespmem:s22+$0x8870] =	vst v0  }
0x9c: {  	[tilespmem:s22+$0x8C00] =	vst v0  }
0x9d: {  	[tilespmem:s22+$0x8C10] =	vst v0  }
0x9e: {  	[tilespmem:s22+$0x8C20] =	vst v0  }
0x9f: {  	[tilespmem:s22+$0x8C30] =	vst v0  }
0xa0: {  	[tilespmem:s22+$0x8C40] =	vst v0  }
0xa1: {  	[tilespmem:s22+$0x8C50] =	vst v0  }
0xa2: {  	[tilespmem:s22+$0x8C60] =	vst v0  }
0xa3: {  	[tilespmem:s22+$0x8C70] =	vst v0  }
0xa4: {  	[tilespmem:s22+$0x9000] =	vst v0  }
0xa5: {  	[tilespmem:s22+$0x9010] =	vst v0  }
0xa6: {  	[tilespmem:s22+$0x9020] =	vst v0  }
0xa7: {  	[tilespmem:s22+$0x9030] =	vst v0  }
0xa8: {  	[tilespmem:s22+$0x9040] =	vst v0  }
0xa9: {  	[tilespmem:s22+$0x9050] =	vst v0  }
0xaa: {  	[tilespmem:s22+$0x9060] =	vst v0  }
0xab: {  	[tilespmem:s22+$0x9070] =	vst v0  }
0xac: {  	[tilespmem:s22+$0x9400] =	vst v0  }
0xad: {  	[tilespmem:s22+$0x9410] =	vst v0  }
0xae: {  	[tilespmem:s22+$0x9420] =	vst v0  }
0xaf: {  	[tilespmem:s22+$0x9430] =	vst v0  }
0xb0: {  	[tilespmem:s22+$0x9440] =	vst v0  }
0xb1: {  	[tilespmem:s22+$0x9450] =	vst v0  }
0xb2: {  	[tilespmem:s22+$0x9460] =	vst v0  }
0xb3: {  	[tilespmem:s22+$0x9470] =	vst v0  }
0xb4: {  	[tilespmem:s22+$0x9800] =	vst v0  }
0xb5: {  	[tilespmem:s22+$0x9810] =	vst v0  }
0xb6: {  	s24 =	simm.s32 $0x0;
	s23 =	simm.s32 $0x2;
	[tilespmem:s22+$0x9820] =	vst v0  }
.LBB2_4:
0xb7: {  	p0 =	sne.s32 s23, $0x1F;
	s24 =	smul.u32 $0x5000, s24;
	[tilespmem:s22+$0x9830] =	vst v0  }
0xb8: {  	s21 =	sadd.s32 $0x80, s21;
	[tilespmem:s22+$0x9840] =	vst v0  }
0xb9: {  	s25 =	sand.u32 $0x380, s21;
	s24 =	sshra.s32 s24, $0x2;
	[tilespmem:s22+$0x9850] =	vst v0  }
0xba: {  	[tilespmem:s22+$0x9860] =	vst v0;
	s22 =	sor.u32 s25, s24  }
0xbb: {  	[tilespmem:s22+$0x9870] =	vst v0  }
0xbc: {  	[tilespmem:s22+$0x8800] =	vst v0  }
0xbd: {  	[tilespmem:s22+$0x8810] =	vst v0  }
0xbe: {  	[tilespmem:s22+$0x8820] =	vst v0  }
0xbf: {  	[tilespmem:s22+$0x8830] =	vst v0  }
0xc0: {  	[tilespmem:s22+$0x8840] =	vst v0  }
0xc1: {  	[tilespmem:s22+$0x8850] =	vst v0  }
0xc2: {  	[tilespmem:s22+$0x8860] =	vst v0  }
0xc3: {  	[tilespmem:s22+$0x8870] =	vst v0  }
0xc4: {  	[tilespmem:s22+$0x8C00] =	vst v0  }
0xc5: {  	[tilespmem:s22+$0x8C10] =	vst v0  }
0xc6: {  	[tilespmem:s22+$0x8C20] =	vst v0  }
0xc7: {  	[tilespmem:s22+$0x8C30] =	vst v0  }
0xc8: {  	[tilespmem:s22+$0x8C40] =	vst v0  }
0xc9: {  	[tilespmem:s22+$0x8C50] =	vst v0  }
0xca: {  	[tilespmem:s22+$0x8C60] =	vst v0  }
0xcb: {  	[tilespmem:s22+$0x8C70] =	vst v0  }
0xcc: {  	[tilespmem:s22+$0x9000] =	vst v0  }
0xcd: {  	[tilespmem:s22+$0x9010] =	vst v0  }
0xce: {  	[tilespmem:s22+$0x9020] =	vst v0  }
0xcf: {  	[tilespmem:s22+$0x9030] =	vst v0  }
0xd0: {  	[tilespmem:s22+$0x9040] =	vst v0  }
0xd1: {  	[tilespmem:s22+$0x9050] =	vst v0  }
0xd2: {  	[tilespmem:s22+$0x9060] =	vst v0  }
0xd3: {  	[tilespmem:s22+$0x9070] =	vst v0  }
0xd4: {  	[tilespmem:s22+$0x9400] =	vst v0  }
0xd5: {  	[tilespmem:s22+$0x9410] =	vst v0  }
0xd6: {  	[tilespmem:s22+$0x9420] =	vst v0  }
0xd7: {  	[tilespmem:s22+$0x9430] =	vst v0  }
0xd8: {  	[tilespmem:s22+$0x9440] =	vst v0  }
0xd9: {  	[tilespmem:s22+$0x9450] =	vst v0  }
.Ltmp1:
0xda: {  	[tilespmem:s22+$0x9460] =	vst v0;
	(pc) =	sbr.rel @p0 .LBB2_4-.Ltmp1, $4  }
0xdb: {  	[tilespmem:s22+$0x9470] =	vst v0  }
0xdc: {  	[tilespmem:s22+$0x9800] =	vst v0  }
0xdd: {  	[tilespmem:s22+$0x9810] =	vst v0  }
0xde: {  	s24 =	sshrl.u32 s23, $0x3;
	s23 =	sadd.s32 $0x1, s23;
	[tilespmem:s22+$0x9820] =	vst v0  }
0xdf: {  	s23 =	smul.u32 $0x5000, s24;
	[tilespmem:s22+$0x9830] =	vst v0  }
0xe0: {  	[tilespmem:s22+$0x9840] =	vst v0;
	s21 =	sadd.s32 $0x80, s21  }
0xe1: {  	[tilespmem:s22+$0x9850] =	vst v0;
	s21 =	sand.u32 $0x380, s21;
	s23 =	sshra.s32 s23, $0x2  }
0xe2: {  	[tilespmem:s22+$0x9860] =	vst v0;
	s21 =	sor.u32 s21, s23  }
0xe3: {  	[tilespmem:s21+$0x9870] =	vst v0  }
0xe4: {  	[tilespmem:s21+$0x8800] =	vst v0  }
0xe5: {  	[tilespmem:s21+$0x8810] =	vst v0  }
0xe6: {  	[tilespmem:s21+$0x8820] =	vst v0  }
0xe7: {  	[tilespmem:s21+$0x8830] =	vst v0  }
0xe8: {  	[tilespmem:s21+$0x8840] =	vst v0  }
0xe9: {  	[tilespmem:s21+$0x8850] =	vst v0  }
0xea: {  	[tilespmem:s21+$0x8860] =	vst v0  }
0xeb: {  	[tilespmem:s21+$0x8870] =	vst v0  }
0xec: {  	[tilespmem:s21+$0x8C00] =	vst v0  }
0xed: {  	[tilespmem:s21+$0x8C10] =	vst v0  }
0xee: {  	[tilespmem:s21+$0x8C20] =	vst v0  }
0xef: {  	[tilespmem:s21+$0x8C30] =	vst v0  }
0xf0: {  	[tilespmem:s21+$0x8C40] =	vst v0  }
0xf1: {  	[tilespmem:s21+$0x8C50] =	vst v0  }
0xf2: {  	[tilespmem:s21+$0x8C60] =	vst v0  }
0xf3: {  	[tilespmem:s21+$0x8C70] =	vst v0  }
0xf4: {  	[tilespmem:s21+$0x9000] =	vst v0  }
0xf5: {  	[tilespmem:s21+$0x9010] =	vst v0  }
0xf6: {  	[tilespmem:s21+$0x9020] =	vst v0  }
0xf7: {  	[tilespmem:s21+$0x9030] =	vst v0  }
0xf8: {  	[tilespmem:s21+$0x9040] =	vst v0  }
0xf9: {  	[tilespmem:s21+$0x9050] =	vst v0  }
0xfa: {  	[tilespmem:s21+$0x9060] =	vst v0  }
0xfb: {  	[tilespmem:s21+$0x9070] =	vst v0  }
0xfc: {  	[tilespmem:s21+$0x9400] =	vst v0  }
0xfd: {  	[tilespmem:s21+$0x9410] =	vst v0  }
0xfe: {  	[tilespmem:s21+$0x9420] =	vst v0  }
0xff: {  	[tilespmem:s21+$0x9430] =	vst v0  }
0x100: {  	[tilespmem:s21+$0x9440] =	vst v0  }
0x101: {  	[tilespmem:s21+$0x9450] =	vst v0  }
0x102: {  	[tilespmem:s21+$0x9460] =	vst v0  }
0x103: {  	[tilespmem:s21+$0x9470] =	vst v0  }
0x104: {  	[tilespmem:s21+$0x9800] =	vst v0  }
0x105: {  	[tilespmem:s21+$0x9810] =	vst v0  }
0x106: {  	[tilespmem:s21+$0x9820] =	vst v0  }
0x107: {  	[tilespmem:s21+$0x9830] =	vst v0  }
0x108: {  	[tilespmem:s21+$0x9840] =	vst v0  }
0x109: {  	[tilespmem:s21+$0x9850] =	vst v0  }
0x10a: {  	[tilespmem:s21+$0x9860] =	vst v0  }
0x10b: {  	_ =	swait.ge [sflag:s15], $0x1900  }
0x10c: {  	[sflag:s15] =	ssyncset.done $0x0  }
0x10d: {  	[sflag:s15] =	ssyncadd.s32 $0xFFFFE700  }
0x10e: {  	_ =	swait.ge [sflag:s15], $0x1900  }
0x10f: {  	[sflag:s15] =	ssyncset.done $0x0  }
0x110: {  	s22 =	simm.s32 $0x0;
	s21 =	simm.s32 $0x0;
	[sflag:s15] =	ssyncadd.s32 $0xFFFFE700  }
.LBB2_6:
0x111: {  	s23 =	sshra.s32 s21, $0x2  }
0x112: {  	v7 =	vld [tilespmem:s23+$0x0];
	_ =	sdelay $0x4  }
0x113: {  	v8 =	vshll.u32 v7, $0x3  }
0x114: {  	v7 =	vand.u32 $0x7F, v7;
	v8 =	vand.u32 $0xFFFFFC00, v8  }
0x115: {  	v7 =	vor.u32 v7, v8  }
0x116: {  	v7 =	vadd.s32 v1, v7;
	_ =	sdelay $0x4  }
0x117: {  	[tilespmem:v7+s16+$0x0] =	vst.idx.add.s32.msk $0xffff, v2  }
0x118: {  	v7 =	vld [tilespmem:s23+$0x1C00];
	_ =	sdelay $0x4  }
0x119: {  	v8 =	vshll.u32 v7, $0x3  }
0x11a: {  	v7 =	vand.u32 $0x7F, v7;
	v8 =	vand.u32 $0xFFFFFC00, v8  }
0x11b: {  	v7 =	vor.u32 v7, v8  }
0x11c: {  	v7 =	vadd.s32 v1, v7;
	_ =	sdelay $0x4  }
0x11d: {  	[tilespmem:v7+s16+$0x0] =	vst.idx.add.s32.msk $0xffff, v3  }
0x11e: {  	v7 =	vld [tilespmem:s23+$0x80];
	_ =	sdelay $0x4  }
0x11f: {  	v8 =	vshll.u32 v7, $0x3  }
0x120: {  	v7 =	vand.u32 $0x7F, v7;
	v8 =	vand.u32 $0xFFFFFC00, v8  }
0x121: {  	v7 =	vor.u32 v7, v8  }
0x122: {  	v7 =	vadd.s32 v1, v7;
	_ =	sdelay $0x4  }
0x123: {  	[tilespmem:v7+s16+$0x0] =	vst.idx.add.s32.msk $0xffff, v2  }
0x124: {  	v7 =	vld [tilespmem:s23+$0x1C80];
	_ =	sdelay $0x4  }
0x125: {  	v8 =	vshll.u32 v7, $0x3  }
0x126: {  	v7 =	vand.u32 $0x7F, v7;
	v8 =	vand.u32 $0xFFFFFC00, v8  }
0x127: {  	v7 =	vor.u32 v7, v8  }
0x128: {  	v7 =	vadd.s32 v1, v7;
	_ =	sdelay $0x4  }
0x129: {  	[tilespmem:v7+s16+$0x0] =	vst.idx.add.s32.msk $0xffff, v3  }
0x12a: {  	v7 =	vld [tilespmem:s23+$0x100];
	_ =	sdelay $0x4  }
0x12b: {  	v8 =	vshll.u32 v7, $0x3  }
0x12c: {  	v7 =	vand.u32 $0x7F, v7;
	v8 =	vand.u32 $0xFFFFFC00, v8  }
0x12d: {  	v7 =	vor.u32 v7, v8  }
0x12e: {  	v7 =	vadd.s32 v1, v7;
	_ =	sdelay $0x4  }
0x12f: {  	[tilespmem:v7+s16+$0x0] =	vst.idx.add.s32.msk $0xffff, v2  }
0x130: {  	v7 =	vld [tilespmem:s23+$0x1D00];
	_ =	sdelay $0x4  }
0x131: {  	v8 =	vshll.u32 v7, $0x3  }
0x132: {  	v7 =	vand.u32 $0x7F, v7;
	v8 =	vand.u32 $0xFFFFFC00, v8  }
0x133: {  	v7 =	vor.u32 v7, v8  }
0x134: {  	v7 =	vadd.s32 v1, v7;
	_ =	sdelay $0x4  }
0x135: {  	[tilespmem:v7+s16+$0x0] =	vst.idx.add.s32.msk $0xffff, v3  }
0x136: {  	v7 =	vld [tilespmem:s23+$0x180];
	_ =	sdelay $0x4  }
0x137: {  	v8 =	vshll.u32 v7, $0x3  }
0x138: {  	v7 =	vand.u32 $0x7F, v7;
	v8 =	vand.u32 $0xFFFFFC00, v8  }
0x139: {  	v7 =	vor.u32 v7, v8  }
0x13a: {  	v7 =	vadd.s32 v1, v7;
	_ =	sdelay $0x4  }
0x13b: {  	[tilespmem:v7+s16+$0x0] =	vst.idx.add.s32.msk $0xffff, v2  }
0x13c: {  	v7 =	vld [tilespmem:s23+$0x1D80];
	_ =	sdelay $0x4  }
0x13d: {  	v8 =	vshll.u32 v7, $0x3  }
0x13e: {  	v7 =	vand.u32 $0x7F, v7;
	v8 =	vand.u32 $0xFFFFFC00, v8  }
0x13f: {  	v7 =	vor.u32 v7, v8  }
0x140: {  	v7 =	vadd.s32 v1, v7;
	_ =	sdelay $0x4  }
0x141: {  	[tilespmem:v7+s16+$0x0] =	vst.idx.add.s32.msk $0xffff, v3  }
0x142: {  	v7 =	vld [tilespmem:s23+$0x200];
	_ =	sdelay $0x4  }
0x143: {  	v8 =	vshll.u32 v7, $0x3  }
0x144: {  	v7 =	vand.u32 $0x7F, v7;
	v8 =	vand.u32 $0xFFFFFC00, v8  }
0x145: {  	v7 =	vor.u32 v7, v8  }
0x146: {  	v7 =	vadd.s32 v1, v7;
	_ =	sdelay $0x4  }
0x147: {  	[tilespmem:v7+s16+$0x0] =	vst.idx.add.s32.msk $0xffff, v2  }
0x148: {  	v7 =	vld [tilespmem:s23+$0x1E00];
	_ =	sdelay $0x4  }
0x149: {  	v8 =	vshll.u32 v7, $0x3  }
0x14a: {  	v7 =	vand.u32 $0x7F, v7;
	v8 =	vand.u32 $0xFFFFFC00, v8  }
0x14b: {  	v7 =	vor.u32 v7, v8  }
0x14c: {  	p0 =	sne.s32 s21, $0x5A00;
	v7 =	vadd.s32 v1, v7  }
.Ltmp2:
0x14d: {  	_ = 	snop;
	(pc) =	sbr.rel @p0 .LBB2_6-.Ltmp2, $2  }
0x14e: {  	_ =	sdelay $0x2  }
0x14f: {  	s21 =	sadd.s32 $0xA00, s21;
	[tilespmem:v7+s16+$0x0] =	vst.idx.add.s32.msk $0xffff, v3  }
.LBB2_7:
0x150: {  	s21 =	sshra.s32 s22, $0x2  }
0x151: {  	v7 =	vld [tilespmem:s21+$0x10];
	_ =	sdelay $0x4  }
0x152: {  	v8 =	vshll.u32 v7, $0x3  }
0x153: {  	v7 =	vand.u32 $0x7F, v7;
	v8 =	vand.u32 $0xFFFFFC00, v8  }
0x154: {  	v7 =	vor.u32 v7, v8  }
0x155: {  	v7 =	vadd.s32 v1, v7;
	_ =	sdelay $0x4  }
0x156: {  	[tilespmem:v7+s16+$0x0] =	vst.idx.add.s32.msk $0xffff, v4  }
0x157: {  	v7 =	vld [tilespmem:s21+$0x1C10];
	_ =	sdelay $0x4  }
0x158: {  	v8 =	vshll.u32 v7, $0x3  }
0x159: {  	v7 =	vand.u32 $0x7F, v7;
	v8 =	vand.u32 $0xFFFFFC00, v8  }
0x15a: {  	v7 =	vor.u32 v7, v8  }
0x15b: {  	v7 =	vadd.s32 v1, v7;
	_ =	sdelay $0x4  }
0x15c: {  	[tilespmem:v7+s16+$0x0] =	vst.idx.add.s32.msk $0xffff, v5  }
0x15d: {  	v7 =	vld [tilespmem:s21+$0x90];
	_ =	sdelay $0x4  }
0x15e: {  	v8 =	vshll.u32 v7, $0x3  }
0x15f: {  	v7 =	vand.u32 $0x7F, v7;
	v8 =	vand.u32 $0xFFFFFC00, v8  }
0x160: {  	v7 =	vor.u32 v7, v8  }
0x161: {  	v7 =	vadd.s32 v1, v7;
	_ =	sdelay $0x4  }
0x162: {  	[tilespmem:v7+s16+$0x0] =	vst.idx.add.s32.msk $0xffff, v4  }
0x163: {  	v7 =	vld [tilespmem:s21+$0x1C90];
	_ =	sdelay $0x4  }
0x164: {  	v8 =	vshll.u32 v7, $0x3  }
0x165: {  	v7 =	vand.u32 $0x7F, v7;
	v8 =	vand.u32 $0xFFFFFC00, v8  }
0x166: {  	v7 =	vor.u32 v7, v8  }
0x167: {  	v7 =	vadd.s32 v1, v7;
	_ =	sdelay $0x4  }
0x168: {  	[tilespmem:v7+s16+$0x0] =	vst.idx.add.s32.msk $0xffff, v5  }
0x169: {  	v7 =	vld [tilespmem:s21+$0x110];
	_ =	sdelay $0x4  }
0x16a: {  	v8 =	vshll.u32 v7, $0x3  }
0x16b: {  	v7 =	vand.u32 $0x7F, v7;
	v8 =	vand.u32 $0xFFFFFC00, v8  }
0x16c: {  	v7 =	vor.u32 v7, v8  }
0x16d: {  	v7 =	vadd.s32 v1, v7;
	_ =	sdelay $0x4  }
0x16e: {  	[tilespmem:v7+s16+$0x0] =	vst.idx.add.s32.msk $0xffff, v4  }
0x16f: {  	v7 =	vld [tilespmem:s21+$0x1D10];
	_ =	sdelay $0x4  }
0x170: {  	v8 =	vshll.u32 v7, $0x3  }
0x171: {  	v7 =	vand.u32 $0x7F, v7;
	v8 =	vand.u32 $0xFFFFFC00, v8  }
0x172: {  	v7 =	vor.u32 v7, v8  }
0x173: {  	v7 =	vadd.s32 v1, v7;
	_ =	sdelay $0x4  }
0x174: {  	[tilespmem:v7+s16+$0x0] =	vst.idx.add.s32.msk $0xffff, v5  }
0x175: {  	v7 =	vld [tilespmem:s21+$0x190];
	_ =	sdelay $0x4  }
0x176: {  	v8 =	vshll.u32 v7, $0x3  }
0x177: {  	v7 =	vand.u32 $0x7F, v7;
	v8 =	vand.u32 $0xFFFFFC00, v8  }
0x178: {  	v7 =	vor.u32 v7, v8  }
0x179: {  	v7 =	vadd.s32 v1, v7;
	_ =	sdelay $0x4  }
0x17a: {  	[tilespmem:v7+s16+$0x0] =	vst.idx.add.s32.msk $0xffff, v4  }
0x17b: {  	v7 =	vld [tilespmem:s21+$0x1D90];
	_ =	sdelay $0x4  }
0x17c: {  	v8 =	vshll.u32 v7, $0x3  }
0x17d: {  	v7 =	vand.u32 $0x7F, v7;
	v8 =	vand.u32 $0xFFFFFC00, v8  }
0x17e: {  	v7 =	vor.u32 v7, v8  }
0x17f: {  	v7 =	vadd.s32 v1, v7;
	_ =	sdelay $0x4  }
0x180: {  	[tilespmem:v7+s16+$0x0] =	vst.idx.add.s32.msk $0xffff, v5  }
0x181: {  	v7 =	vld [tilespmem:s21+$0x210];
	_ =	sdelay $0x4  }
0x182: {  	v8 =	vshll.u32 v7, $0x3  }
0x183: {  	v7 =	vand.u32 $0x7F, v7;
	v8 =	vand.u32 $0xFFFFFC00, v8  }
0x184: {  	v7 =	vor.u32 v7, v8  }
0x185: {  	v7 =	vadd.s32 v1, v7;
	_ =	sdelay $0x4  }
0x186: {  	[tilespmem:v7+s16+$0x0] =	vst.idx.add.s32.msk $0xffff, v4  }
0x187: {  	v7 =	vld [tilespmem:s21+$0x1E10];
	_ =	sdelay $0x4  }
0x188: {  	v8 =	vshll.u32 v7, $0x3  }
0x189: {  	v7 =	vand.u32 $0x7F, v7;
	v8 =	vand.u32 $0xFFFFFC00, v8  }
0x18a: {  	v7 =	vor.u32 v7, v8  }
0x18b: {  	p0 =	sne.s32 s22, $0x5A00;
	v7 =	vadd.s32 v1, v7  }
.Ltmp3:
0x18c: {  	_ = 	snop;
	(pc) =	sbr.rel @p0 .LBB2_7-.Ltmp3, $2  }
0x18d: {  	_ =	sdelay $0x2  }
0x18e: {  	s22 =	sadd.s32 $0xA00, s22;
	s21 =	simm.s32 $0x0;
	[tilespmem:v7+s16+$0x0] =	vst.idx.add.s32.msk $0xffff, v5  }
0x18f: {  	s22 =	simm.s32 $0x0  }
.LBB2_9:
0x190: {  	s23 =	sshra.s32 s22, $0x2  }
0x191: {  	v7 =	vld [tilespmem:s23+$0x20];
	_ =	sdelay $0x4  }
0x192: {  	v8 =	vshll.u32 v7, $0x3  }
0x193: {  	v7 =	vand.u32 $0x7F, v7;
	v8 =	vand.u32 $0xFFFFFC00, v8  }
0x194: {  	v7 =	vor.u32 v7, v8  }
0x195: {  	v7 =	vadd.s32 v6, v7;
	_ =	sdelay $0x4  }
0x196: {  	[tilespmem:v7+s16+$0x0] =	vst.idx.add.s32.msk $0xffff, v2  }
0x197: {  	v7 =	vld [tilespmem:s23+$0x1C20];
	_ =	sdelay $0x4  }
0x198: {  	v8 =	vshll.u32 v7, $0x3  }
0x199: {  	v7 =	vand.u32 $0x7F, v7;
	v8 =	vand.u32 $0xFFFFFC00, v8  }
0x19a: {  	v7 =	vor.u32 v7, v8  }
0x19b: {  	v7 =	vadd.s32 v6, v7;
	_ =	sdelay $0x4  }
0x19c: {  	[tilespmem:v7+s16+$0x0] =	vst.idx.add.s32.msk $0xffff, v3  }
0x19d: {  	v7 =	vld [tilespmem:s23+$0xA0];
	_ =	sdelay $0x4  }
0x19e: {  	v8 =	vshll.u32 v7, $0x3  }
0x19f: {  	v7 =	vand.u32 $0x7F, v7;
	v8 =	vand.u32 $0xFFFFFC00, v8  }
0x1a0: {  	v7 =	vor.u32 v7, v8  }
0x1a1: {  	v7 =	vadd.s32 v6, v7;
	_ =	sdelay $0x4  }
0x1a2: {  	[tilespmem:v7+s16+$0x0] =	vst.idx.add.s32.msk $0xffff, v2  }
0x1a3: {  	v7 =	vld [tilespmem:s23+$0x1CA0];
	_ =	sdelay $0x4  }
0x1a4: {  	v8 =	vshll.u32 v7, $0x3  }
0x1a5: {  	v7 =	vand.u32 $0x7F, v7;
	v8 =	vand.u32 $0xFFFFFC00, v8  }
0x1a6: {  	v7 =	vor.u32 v7, v8  }
0x1a7: {  	v7 =	vadd.s32 v6, v7;
	_ =	sdelay $0x4  }
0x1a8: {  	[tilespmem:v7+s16+$0x0] =	vst.idx.add.s32.msk $0xffff, v3  }
0x1a9: {  	v7 =	vld [tilespmem:s23+$0x120];
	_ =	sdelay $0x4  }
0x1aa: {  	v8 =	vshll.u32 v7, $0x3  }
0x1ab: {  	v7 =	vand.u32 $0x7F, v7;
	v8 =	vand.u32 $0xFFFFFC00, v8  }
0x1ac: {  	v7 =	vor.u32 v7, v8  }
0x1ad: {  	v7 =	vadd.s32 v6, v7;
	_ =	sdelay $0x4  }
0x1ae: {  	[tilespmem:v7+s16+$0x0] =	vst.idx.add.s32.msk $0xffff, v2  }
0x1af: {  	v7 =	vld [tilespmem:s23+$0x1D20];
	_ =	sdelay $0x4  }
0x1b0: {  	v8 =	vshll.u32 v7, $0x3  }
0x1b1: {  	v7 =	vand.u32 $0x7F, v7;
	v8 =	vand.u32 $0xFFFFFC00, v8  }
0x1b2: {  	v7 =	vor.u32 v7, v8  }
0x1b3: {  	v7 =	vadd.s32 v6, v7;
	_ =	sdelay $0x4  }
0x1b4: {  	[tilespmem:v7+s16+$0x0] =	vst.idx.add.s32.msk $0xffff, v3  }
0x1b5: {  	v7 =	vld [tilespmem:s23+$0x1A0];
	_ =	sdelay $0x4  }
0x1b6: {  	v8 =	vshll.u32 v7, $0x3  }
0x1b7: {  	v7 =	vand.u32 $0x7F, v7;
	v8 =	vand.u32 $0xFFFFFC00, v8  }
0x1b8: {  	v7 =	vor.u32 v7, v8  }
0x1b9: {  	v7 =	vadd.s32 v6, v7;
	_ =	sdelay $0x4  }
0x1ba: {  	[tilespmem:v7+s16+$0x0] =	vst.idx.add.s32.msk $0xffff, v2  }
0x1bb: {  	v7 =	vld [tilespmem:s23+$0x1DA0];
	_ =	sdelay $0x4  }
0x1bc: {  	v8 =	vshll.u32 v7, $0x3  }
0x1bd: {  	v7 =	vand.u32 $0x7F, v7;
	v8 =	vand.u32 $0xFFFFFC00, v8  }
0x1be: {  	v7 =	vor.u32 v7, v8  }
0x1bf: {  	v7 =	vadd.s32 v6, v7;
	_ =	sdelay $0x4  }
0x1c0: {  	[tilespmem:v7+s16+$0x0] =	vst.idx.add.s32.msk $0xffff, v3  }
0x1c1: {  	v7 =	vld [tilespmem:s23+$0x220];
	_ =	sdelay $0x4  }
0x1c2: {  	v8 =	vshll.u32 v7, $0x3  }
0x1c3: {  	v7 =	vand.u32 $0x7F, v7;
	v8 =	vand.u32 $0xFFFFFC00, v8  }
0x1c4: {  	v7 =	vor.u32 v7, v8  }
0x1c5: {  	v7 =	vadd.s32 v6, v7;
	_ =	sdelay $0x4  }
0x1c6: {  	[tilespmem:v7+s16+$0x0] =	vst.idx.add.s32.msk $0xffff, v2  }
0x1c7: {  	v7 =	vld [tilespmem:s23+$0x1E20];
	_ =	sdelay $0x4  }
0x1c8: {  	v8 =	vshll.u32 v7, $0x3  }
0x1c9: {  	v7 =	vand.u32 $0x7F, v7;
	v8 =	vand.u32 $0xFFFFFC00, v8  }
0x1ca: {  	v7 =	vor.u32 v7, v8  }
0x1cb: {  	p0 =	sne.s32 s22, $0x5A00;
	v7 =	vadd.s32 v6, v7  }
.Ltmp4:
0x1cc: {  	_ = 	snop;
	(pc) =	sbr.rel @p0 .LBB2_9-.Ltmp4, $2  }
0x1cd: {  	_ =	sdelay $0x2  }
0x1ce: {  	s22 =	sadd.s32 $0xA00, s22;
	[tilespmem:v7+s16+$0x0] =	vst.idx.add.s32.msk $0xffff, v3  }
.LBB2_10:
0x1cf: {  	s22 =	sshra.s32 s21, $0x2  }
0x1d0: {  	v7 =	vld [tilespmem:s22+$0x30];
	_ =	sdelay $0x4  }
0x1d1: {  	v8 =	vshll.u32 v7, $0x3  }
0x1d2: {  	v7 =	vand.u32 $0x7F, v7;
	v8 =	vand.u32 $0xFFFFFC00, v8  }
0x1d3: {  	v7 =	vor.u32 v7, v8  }
0x1d4: {  	v7 =	vadd.s32 v6, v7;
	_ =	sdelay $0x4  }
0x1d5: {  	[tilespmem:v7+s16+$0x0] =	vst.idx.add.s32.msk $0xffff, v4  }
0x1d6: {  	v7 =	vld [tilespmem:s22+$0x1C30];
	_ =	sdelay $0x4  }
0x1d7: {  	v8 =	vshll.u32 v7, $0x3  }
0x1d8: {  	v7 =	vand.u32 $0x7F, v7;
	v8 =	vand.u32 $0xFFFFFC00, v8  }
0x1d9: {  	v7 =	vor.u32 v7, v8  }
0x1da: {  	v7 =	vadd.s32 v6, v7;
	_ =	sdelay $0x4  }
0x1db: {  	[tilespmem:v7+s16+$0x0] =	vst.idx.add.s32.msk $0xffff, v5  }
0x1dc: {  	v7 =	vld [tilespmem:s22+$0xB0];
	_ =	sdelay $0x4  }
0x1dd: {  	v8 =	vshll.u32 v7, $0x3  }
0x1de: {  	v7 =	vand.u32 $0x7F, v7;
	v8 =	vand.u32 $0xFFFFFC00, v8  }
0x1df: {  	v7 =	vor.u32 v7, v8  }
0x1e0: {  	v7 =	vadd.s32 v6, v7;
	_ =	sdelay $0x4  }
0x1e1: {  	[tilespmem:v7+s16+$0x0] =	vst.idx.add.s32.msk $0xffff, v4  }
0x1e2: {  	v7 =	vld [tilespmem:s22+$0x1CB0];
	_ =	sdelay $0x4  }
0x1e3: {  	v8 =	vshll.u32 v7, $0x3  }
0x1e4: {  	v7 =	vand.u32 $0x7F, v7;
	v8 =	vand.u32 $0xFFFFFC00, v8  }
0x1e5: {  	v7 =	vor.u32 v7, v8  }
0x1e6: {  	v7 =	vadd.s32 v6, v7;
	_ =	sdelay $0x4  }
0x1e7: {  	[tilespmem:v7+s16+$0x0] =	vst.idx.add.s32.msk $0xffff, v5  }
0x1e8: {  	v7 =	vld [tilespmem:s22+$0x130];
	_ =	sdelay $0x4  }
0x1e9: {  	v8 =	vshll.u32 v7, $0x3  }
0x1ea: {  	v7 =	vand.u32 $0x7F, v7;
	v8 =	vand.u32 $0xFFFFFC00, v8  }
0x1eb: {  	v7 =	vor.u32 v7, v8  }
0x1ec: {  	v7 =	vadd.s32 v6, v7;
	_ =	sdelay $0x4  }
0x1ed: {  	[tilespmem:v7+s16+$0x0] =	vst.idx.add.s32.msk $0xffff, v4  }
0x1ee: {  	v7 =	vld [tilespmem:s22+$0x1D30];
	_ =	sdelay $0x4  }
0x1ef: {  	v8 =	vshll.u32 v7, $0x3  }
0x1f0: {  	v7 =	vand.u32 $0x7F, v7;
	v8 =	vand.u32 $0xFFFFFC00, v8  }
0x1f1: {  	v7 =	vor.u32 v7, v8  }
0x1f2: {  	v7 =	vadd.s32 v6, v7;
	_ =	sdelay $0x4  }
0x1f3: {  	[tilespmem:v7+s16+$0x0] =	vst.idx.add.s32.msk $0xffff, v5  }
0x1f4: {  	v7 =	vld [tilespmem:s22+$0x1B0];
	_ =	sdelay $0x4  }
0x1f5: {  	v8 =	vshll.u32 v7, $0x3  }
0x1f6: {  	v7 =	vand.u32 $0x7F, v7;
	v8 =	vand.u32 $0xFFFFFC00, v8  }
0x1f7: {  	v7 =	vor.u32 v7, v8  }
0x1f8: {  	v7 =	vadd.s32 v6, v7;
	_ =	sdelay $0x4  }
0x1f9: {  	[tilespmem:v7+s16+$0x0] =	vst.idx.add.s32.msk $0xffff, v4  }
0x1fa: {  	v7 =	vld [tilespmem:s22+$0x1DB0];
	_ =	sdelay $0x4  }
0x1fb: {  	v8 =	vshll.u32 v7, $0x3  }
0x1fc: {  	v7 =	vand.u32 $0x7F, v7;
	v8 =	vand.u32 $0xFFFFFC00, v8  }
0x1fd: {  	v7 =	vor.u32 v7, v8  }
0x1fe: {  	v7 =	vadd.s32 v6, v7;
	_ =	sdelay $0x4  }
0x1ff: {  	[tilespmem:v7+s16+$0x0] =	vst.idx.add.s32.msk $0xffff, v5  }
0x200: {  	v7 =	vld [tilespmem:s22+$0x230];
	_ =	sdelay $0x4  }
0x201: {  	v8 =	vshll.u32 v7, $0x3  }
0x202: {  	v7 =	vand.u32 $0x7F, v7;
	v8 =	vand.u32 $0xFFFFFC00, v8  }
0x203: {  	v7 =	vor.u32 v7, v8  }
0x204: {  	v7 =	vadd.s32 v6, v7;
	_ =	sdelay $0x4  }
0x205: {  	[tilespmem:v7+s16+$0x0] =	vst.idx.add.s32.msk $0xffff, v4  }
0x206: {  	v7 =	vld [tilespmem:s22+$0x1E30];
	_ =	sdelay $0x4  }
0x207: {  	v8 =	vshll.u32 v7, $0x3  }
0x208: {  	v7 =	vand.u32 $0x7F, v7;
	v8 =	vand.u32 $0xFFFFFC00, v8  }
0x209: {  	v7 =	vor.u32 v7, v8  }
0x20a: {  	p0 =	sne.s32 s21, $0x5A00;
	v7 =	vadd.s32 v6, v7  }
.Ltmp5:
0x20b: {  	_ = 	snop;
	(pc) =	sbr.rel @p0 .LBB2_10-.Ltmp5, $2  }
0x20c: {  	_ =	sdelay $0x2  }
0x20d: {  	s21 =	sadd.s32 $0xA00, s21;
	[tilespmem:v7+s16+$0x0] =	vst.idx.add.s32.msk $0xffff, v5  }
0x20e: {  	s22 =	simm.s32 $0x0;
	s21 =	simm.s32 $0x0  }
0x20f: {  	[hbm4b:s7+s22] =	stream.linear.scatter [tilespmem:s16], [sflag:$0x2], $0x5000, $0x38;
	[tilespmem:$0xD800] =	vst v63  }
.LBB2_12:
0x210: {  	s23 =	sshra.s32 s21, $0x2  }
0x211: {  	v7 =	vld [tilespmem:s23+$0x40];
	_ =	sdelay $0x4  }
0x212: {  	v8 =	vshll.u32 v7, $0x3  }
0x213: {  	v7 =	vand.u32 $0x7F, v7;
	v8 =	vand.u32 $0xFFFFFC00, v8  }
0x214: {  	v7 =	vor.u32 v7, v8  }
0x215: {  	v7 =	vadd.s32 v1, v7;
	_ =	sdelay $0x4  }
0x216: {  	[tilespmem:v7+s17+$0x0] =	vst.idx.add.s32.msk $0xffff, v2  }
0x217: {  	v7 =	vld [tilespmem:s23+$0x1C40];
	_ =	sdelay $0x4  }
0x218: {  	v8 =	vshll.u32 v7, $0x3  }
0x219: {  	v7 =	vand.u32 $0x7F, v7;
	v8 =	vand.u32 $0xFFFFFC00, v8  }
0x21a: {  	v7 =	vor.u32 v7, v8  }
0x21b: {  	v7 =	vadd.s32 v1, v7;
	_ =	sdelay $0x4  }
0x21c: {  	[tilespmem:v7+s17+$0x0] =	vst.idx.add.s32.msk $0xffff, v3  }
0x21d: {  	v7 =	vld [tilespmem:s23+$0xC0];
	_ =	sdelay $0x4  }
0x21e: {  	v8 =	vshll.u32 v7, $0x3  }
0x21f: {  	v7 =	vand.u32 $0x7F, v7;
	v8 =	vand.u32 $0xFFFFFC00, v8  }
0x220: {  	v7 =	vor.u32 v7, v8  }
0x221: {  	v7 =	vadd.s32 v1, v7;
	_ =	sdelay $0x4  }
0x222: {  	[tilespmem:v7+s17+$0x0] =	vst.idx.add.s32.msk $0xffff, v2  }
0x223: {  	v7 =	vld [tilespmem:s23+$0x1CC0];
	_ =	sdelay $0x4  }
0x224: {  	v8 =	vshll.u32 v7, $0x3  }
0x225: {  	v7 =	vand.u32 $0x7F, v7;
	v8 =	vand.u32 $0xFFFFFC00, v8  }
0x226: {  	v7 =	vor.u32 v7, v8  }
0x227: {  	v7 =	vadd.s32 v1, v7;
	_ =	sdelay $0x4  }
0x228: {  	[tilespmem:v7+s17+$0x0] =	vst.idx.add.s32.msk $0xffff, v3  }
0x229: {  	v7 =	vld [tilespmem:s23+$0x140];
	_ =	sdelay $0x4  }
0x22a: {  	v8 =	vshll.u32 v7, $0x3  }
0x22b: {  	v7 =	vand.u32 $0x7F, v7;
	v8 =	vand.u32 $0xFFFFFC00, v8  }
0x22c: {  	v7 =	vor.u32 v7, v8  }
0x22d: {  	v7 =	vadd.s32 v1, v7;
	_ =	sdelay $0x4  }
0x22e: {  	[tilespmem:v7+s17+$0x0] =	vst.idx.add.s32.msk $0xffff, v2  }
0x22f: {  	v7 =	vld [tilespmem:s23+$0x1D40];
	_ =	sdelay $0x4  }
0x230: {  	v8 =	vshll.u32 v7, $0x3  }
0x231: {  	v7 =	vand.u32 $0x7F, v7;
	v8 =	vand.u32 $0xFFFFFC00, v8  }
0x232: {  	v7 =	vor.u32 v7, v8  }
0x233: {  	v7 =	vadd.s32 v1, v7;
	_ =	sdelay $0x4  }
0x234: {  	[tilespmem:v7+s17+$0x0] =	vst.idx.add.s32.msk $0xffff, v3  }
0x235: {  	v7 =	vld [tilespmem:s23+$0x1C0];
	_ =	sdelay $0x4  }
0x236: {  	v8 =	vshll.u32 v7, $0x3  }
0x237: {  	v7 =	vand.u32 $0x7F, v7;
	v8 =	vand.u32 $0xFFFFFC00, v8  }
0x238: {  	v7 =	vor.u32 v7, v8  }
0x239: {  	v7 =	vadd.s32 v1, v7;
	_ =	sdelay $0x4  }
0x23a: {  	[tilespmem:v7+s17+$0x0] =	vst.idx.add.s32.msk $0xffff, v2  }
0x23b: {  	v7 =	vld [tilespmem:s23+$0x1DC0];
	_ =	sdelay $0x4  }
0x23c: {  	v8 =	vshll.u32 v7, $0x3  }
0x23d: {  	v7 =	vand.u32 $0x7F, v7;
	v8 =	vand.u32 $0xFFFFFC00, v8  }
0x23e: {  	v7 =	vor.u32 v7, v8  }
0x23f: {  	v7 =	vadd.s32 v1, v7;
	_ =	sdelay $0x4  }
0x240: {  	[tilespmem:v7+s17+$0x0] =	vst.idx.add.s32.msk $0xffff, v3  }
0x241: {  	v7 =	vld [tilespmem:s23+$0x240];
	_ =	sdelay $0x4  }
0x242: {  	v8 =	vshll.u32 v7, $0x3  }
0x243: {  	v7 =	vand.u32 $0x7F, v7;
	v8 =	vand.u32 $0xFFFFFC00, v8  }
0x244: {  	v7 =	vor.u32 v7, v8  }
0x245: {  	v7 =	vadd.s32 v1, v7;
	_ =	sdelay $0x4  }
0x246: {  	[tilespmem:v7+s17+$0x0] =	vst.idx.add.s32.msk $0xffff, v2  }
0x247: {  	v7 =	vld [tilespmem:s23+$0x1E40];
	_ =	sdelay $0x4  }
0x248: {  	v8 =	vshll.u32 v7, $0x3  }
0x249: {  	v7 =	vand.u32 $0x7F, v7;
	v8 =	vand.u32 $0xFFFFFC00, v8  }
0x24a: {  	v7 =	vor.u32 v7, v8  }
0x24b: {  	p0 =	sne.s32 s21, $0x5A00;
	v7 =	vadd.s32 v1, v7  }
.Ltmp6:
0x24c: {  	_ = 	snop;
	(pc) =	sbr.rel @p0 .LBB2_12-.Ltmp6, $2  }
0x24d: {  	_ =	sdelay $0x2  }
0x24e: {  	s21 =	sadd.s32 $0xA00, s21;
	[tilespmem:v7+s17+$0x0] =	vst.idx.add.s32.msk $0xffff, v3  }
.LBB2_13:
0x24f: {  	s21 =	sshra.s32 s22, $0x2  }
0x250: {  	v7 =	vld [tilespmem:s21+$0x50];
	_ =	sdelay $0x4  }
0x251: {  	v8 =	vshll.u32 v7, $0x3  }
0x252: {  	v7 =	vand.u32 $0x7F, v7;
	v8 =	vand.u32 $0xFFFFFC00, v8  }
0x253: {  	v7 =	vor.u32 v7, v8  }
0x254: {  	v7 =	vadd.s32 v1, v7;
	_ =	sdelay $0x4  }
0x255: {  	[tilespmem:v7+s17+$0x0] =	vst.idx.add.s32.msk $0xffff, v4  }
0x256: {  	v7 =	vld [tilespmem:s21+$0x1C50];
	_ =	sdelay $0x4  }
0x257: {  	v8 =	vshll.u32 v7, $0x3  }
0x258: {  	v7 =	vand.u32 $0x7F, v7;
	v8 =	vand.u32 $0xFFFFFC00, v8  }
0x259: {  	v7 =	vor.u32 v7, v8  }
0x25a: {  	v7 =	vadd.s32 v1, v7;
	_ =	sdelay $0x4  }
0x25b: {  	[tilespmem:v7+s17+$0x0] =	vst.idx.add.s32.msk $0xffff, v5  }
0x25c: {  	v7 =	vld [tilespmem:s21+$0xD0];
	_ =	sdelay $0x4  }
0x25d: {  	v8 =	vshll.u32 v7, $0x3  }
0x25e: {  	v7 =	vand.u32 $0x7F, v7;
	v8 =	vand.u32 $0xFFFFFC00, v8  }
0x25f: {  	v7 =	vor.u32 v7, v8  }
0x260: {  	v7 =	vadd.s32 v1, v7;
	_ =	sdelay $0x4  }
0x261: {  	[tilespmem:v7+s17+$0x0] =	vst.idx.add.s32.msk $0xffff, v4  }
0x262: {  	v7 =	vld [tilespmem:s21+$0x1CD0];
	_ =	sdelay $0x4  }
0x263: {  	v8 =	vshll.u32 v7, $0x3  }
0x264: {  	v7 =	vand.u32 $0x7F, v7;
	v8 =	vand.u32 $0xFFFFFC00, v8  }
0x265: {  	v7 =	vor.u32 v7, v8  }
0x266: {  	v7 =	vadd.s32 v1, v7;
	_ =	sdelay $0x4  }
0x267: {  	[tilespmem:v7+s17+$0x0] =	vst.idx.add.s32.msk $0xffff, v5  }
0x268: {  	v7 =	vld [tilespmem:s21+$0x150];
	_ =	sdelay $0x4  }
0x269: {  	v8 =	vshll.u32 v7, $0x3  }
0x26a: {  	v7 =	vand.u32 $0x7F, v7;
	v8 =	vand.u32 $0xFFFFFC00, v8  }
0x26b: {  	v7 =	vor.u32 v7, v8  }
0x26c: {  	v7 =	vadd.s32 v1, v7;
	_ =	sdelay $0x4  }
0x26d: {  	[tilespmem:v7+s17+$0x0] =	vst.idx.add.s32.msk $0xffff, v4  }
0x26e: {  	v7 =	vld [tilespmem:s21+$0x1D50];
	_ =	sdelay $0x4  }
0x26f: {  	v8 =	vshll.u32 v7, $0x3  }
0x270: {  	v7 =	vand.u32 $0x7F, v7;
	v8 =	vand.u32 $0xFFFFFC00, v8  }
0x271: {  	v7 =	vor.u32 v7, v8  }
0x272: {  	v7 =	vadd.s32 v1, v7;
	_ =	sdelay $0x4  }
0x273: {  	[tilespmem:v7+s17+$0x0] =	vst.idx.add.s32.msk $0xffff, v5  }
0x274: {  	v7 =	vld [tilespmem:s21+$0x1D0];
	_ =	sdelay $0x4  }
0x275: {  	v8 =	vshll.u32 v7, $0x3  }
0x276: {  	v7 =	vand.u32 $0x7F, v7;
	v8 =	vand.u32 $0xFFFFFC00, v8  }
0x277: {  	v7 =	vor.u32 v7, v8  }
0x278: {  	v7 =	vadd.s32 v1, v7;
	_ =	sdelay $0x4  }
0x279: {  	[tilespmem:v7+s17+$0x0] =	vst.idx.add.s32.msk $0xffff, v4  }
0x27a: {  	v7 =	vld [tilespmem:s21+$0x1DD0];
	_ =	sdelay $0x4  }
0x27b: {  	v8 =	vshll.u32 v7, $0x3  }
0x27c: {  	v7 =	vand.u32 $0x7F, v7;
	v8 =	vand.u32 $0xFFFFFC00, v8  }
0x27d: {  	v7 =	vor.u32 v7, v8  }
0x27e: {  	v7 =	vadd.s32 v1, v7;
	_ =	sdelay $0x4  }
0x27f: {  	[tilespmem:v7+s17+$0x0] =	vst.idx.add.s32.msk $0xffff, v5  }
0x280: {  	v7 =	vld [tilespmem:s21+$0x250];
	_ =	sdelay $0x4  }
0x281: {  	v8 =	vshll.u32 v7, $0x3  }
0x282: {  	v7 =	vand.u32 $0x7F, v7;
	v8 =	vand.u32 $0xFFFFFC00, v8  }
0x283: {  	v7 =	vor.u32 v7, v8  }
0x284: {  	v7 =	vadd.s32 v1, v7;
	_ =	sdelay $0x4  }
0x285: {  	[tilespmem:v7+s17+$0x0] =	vst.idx.add.s32.msk $0xffff, v4  }
0x286: {  	v7 =	vld [tilespmem:s21+$0x1E50];
	_ =	sdelay $0x4  }
0x287: {  	v8 =	vshll.u32 v7, $0x3  }
0x288: {  	v7 =	vand.u32 $0x7F, v7;
	v8 =	vand.u32 $0xFFFFFC00, v8  }
0x289: {  	v7 =	vor.u32 v7, v8  }
0x28a: {  	p0 =	sne.s32 s22, $0x5A00;
	v7 =	vadd.s32 v1, v7  }
.Ltmp7:
0x28b: {  	_ = 	snop;
	(pc) =	sbr.rel @p0 .LBB2_13-.Ltmp7, $2  }
0x28c: {  	_ =	sdelay $0x2  }
0x28d: {  	s22 =	sadd.s32 $0xA00, s22;
	s21 =	simm.s32 $0x0;
	[tilespmem:v7+s17+$0x0] =	vst.idx.add.s32.msk $0xffff, v5  }
0x28e: {  	s22 =	simm.s32 $0x0  }
.LBB2_15:
0x28f: {  	s23 =	sshra.s32 s22, $0x2  }
0x290: {  	v7 =	vld [tilespmem:s23+$0x60];
	_ =	sdelay $0x4  }
0x291: {  	v8 =	vshll.u32 v7, $0x3  }
0x292: {  	v7 =	vand.u32 $0x7F, v7;
	v8 =	vand.u32 $0xFFFFFC00, v8  }
0x293: {  	v7 =	vor.u32 v7, v8  }
0x294: {  	v7 =	vadd.s32 v6, v7;
	_ =	sdelay $0x4  }
0x295: {  	[tilespmem:v7+s17+$0x0] =	vst.idx.add.s32.msk $0xffff, v2  }
0x296: {  	v7 =	vld [tilespmem:s23+$0x1C60];
	_ =	sdelay $0x4  }
0x297: {  	v8 =	vshll.u32 v7, $0x3  }
0x298: {  	v7 =	vand.u32 $0x7F, v7;
	v8 =	vand.u32 $0xFFFFFC00, v8  }
0x299: {  	v7 =	vor.u32 v7, v8  }
0x29a: {  	v7 =	vadd.s32 v6, v7;
	_ =	sdelay $0x4  }
0x29b: {  	[tilespmem:v7+s17+$0x0] =	vst.idx.add.s32.msk $0xffff, v3  }
0x29c: {  	v7 =	vld [tilespmem:s23+$0xE0];
	_ =	sdelay $0x4  }
0x29d: {  	v8 =	vshll.u32 v7, $0x3  }
0x29e: {  	v7 =	vand.u32 $0x7F, v7;
	v8 =	vand.u32 $0xFFFFFC00, v8  }
0x29f: {  	v7 =	vor.u32 v7, v8  }
0x2a0: {  	v7 =	vadd.s32 v6, v7;
	_ =	sdelay $0x4  }
0x2a1: {  	[tilespmem:v7+s17+$0x0] =	vst.idx.add.s32.msk $0xffff, v2  }
0x2a2: {  	v7 =	vld [tilespmem:s23+$0x1CE0];
	_ =	sdelay $0x4  }
0x2a3: {  	v8 =	vshll.u32 v7, $0x3  }
0x2a4: {  	v7 =	vand.u32 $0x7F, v7;
	v8 =	vand.u32 $0xFFFFFC00, v8  }
0x2a5: {  	v7 =	vor.u32 v7, v8  }
0x2a6: {  	v7 =	vadd.s32 v6, v7;
	_ =	sdelay $0x4  }
0x2a7: {  	[tilespmem:v7+s17+$0x0] =	vst.idx.add.s32.msk $0xffff, v3  }
0x2a8: {  	v7 =	vld [tilespmem:s23+$0x160];
	_ =	sdelay $0x4  }
0x2a9: {  	v8 =	vshll.u32 v7, $0x3  }
0x2aa: {  	v7 =	vand.u32 $0x7F, v7;
	v8 =	vand.u32 $0xFFFFFC00, v8  }
0x2ab: {  	v7 =	vor.u32 v7, v8  }
0x2ac: {  	v7 =	vadd.s32 v6, v7;
	_ =	sdelay $0x4  }
0x2ad: {  	[tilespmem:v7+s17+$0x0] =	vst.idx.add.s32.msk $0xffff, v2  }
0x2ae: {  	v7 =	vld [tilespmem:s23+$0x1D60];
	_ =	sdelay $0x4  }
0x2af: {  	v8 =	vshll.u32 v7, $0x3  }
0x2b0: {  	v7 =	vand.u32 $0x7F, v7;
	v8 =	vand.u32 $0xFFFFFC00, v8  }
0x2b1: {  	v7 =	vor.u32 v7, v8  }
0x2b2: {  	v7 =	vadd.s32 v6, v7;
	_ =	sdelay $0x4  }
0x2b3: {  	[tilespmem:v7+s17+$0x0] =	vst.idx.add.s32.msk $0xffff, v3  }
0x2b4: {  	v7 =	vld [tilespmem:s23+$0x1E0];
	_ =	sdelay $0x4  }
0x2b5: {  	v8 =	vshll.u32 v7, $0x3  }
0x2b6: {  	v7 =	vand.u32 $0x7F, v7;
	v8 =	vand.u32 $0xFFFFFC00, v8  }
0x2b7: {  	v7 =	vor.u32 v7, v8  }
0x2b8: {  	v7 =	vadd.s32 v6, v7;
	_ =	sdelay $0x4  }
0x2b9: {  	[tilespmem:v7+s17+$0x0] =	vst.idx.add.s32.msk $0xffff, v2  }
0x2ba: {  	v7 =	vld [tilespmem:s23+$0x1DE0];
	_ =	sdelay $0x4  }
0x2bb: {  	v8 =	vshll.u32 v7, $0x3  }
0x2bc: {  	v7 =	vand.u32 $0x7F, v7;
	v8 =	vand.u32 $0xFFFFFC00, v8  }
0x2bd: {  	v7 =	vor.u32 v7, v8  }
0x2be: {  	v7 =	vadd.s32 v6, v7;
	_ =	sdelay $0x4  }
0x2bf: {  	[tilespmem:v7+s17+$0x0] =	vst.idx.add.s32.msk $0xffff, v3  }
0x2c0: {  	v7 =	vld [tilespmem:s23+$0x260];
	_ =	sdelay $0x4  }
0x2c1: {  	v8 =	vshll.u32 v7, $0x3  }
0x2c2: {  	v7 =	vand.u32 $0x7F, v7;
	v8 =	vand.u32 $0xFFFFFC00, v8  }
0x2c3: {  	v7 =	vor.u32 v7, v8  }
0x2c4: {  	v7 =	vadd.s32 v6, v7;
	_ =	sdelay $0x4  }
0x2c5: {  	[tilespmem:v7+s17+$0x0] =	vst.idx.add.s32.msk $0xffff, v2  }
0x2c6: {  	v7 =	vld [tilespmem:s23+$0x1E60];
	_ =	sdelay $0x4  }
0x2c7: {  	v8 =	vshll.u32 v7, $0x3  }
0x2c8: {  	v7 =	vand.u32 $0x7F, v7;
	v8 =	vand.u32 $0xFFFFFC00, v8  }
0x2c9: {  	v7 =	vor.u32 v7, v8  }
0x2ca: {  	p0 =	sne.s32 s22, $0x5A00;
	v7 =	vadd.s32 v6, v7  }
.Ltmp8:
0x2cb: {  	_ = 	snop;
	(pc) =	sbr.rel @p0 .LBB2_15-.Ltmp8, $2  }
0x2cc: {  	_ =	sdelay $0x2  }
0x2cd: {  	s22 =	sadd.s32 $0xA00, s22;
	[tilespmem:v7+s17+$0x0] =	vst.idx.add.s32.msk $0xffff, v3  }
.LBB2_16:
0x2ce: {  	s22 =	sshra.s32 s21, $0x2  }
0x2cf: {  	v7 =	vld [tilespmem:s22+$0x70];
	_ =	sdelay $0x4  }
0x2d0: {  	v8 =	vshll.u32 v7, $0x3  }
0x2d1: {  	v7 =	vand.u32 $0x7F, v7;
	v8 =	vand.u32 $0xFFFFFC00, v8  }
0x2d2: {  	v7 =	vor.u32 v7, v8  }
0x2d3: {  	v7 =	vadd.s32 v6, v7;
	_ =	sdelay $0x4  }
0x2d4: {  	[tilespmem:v7+s17+$0x0] =	vst.idx.add.s32.msk $0xffff, v4  }
0x2d5: {  	v7 =	vld [tilespmem:s22+$0x1C70];
	_ =	sdelay $0x4  }
0x2d6: {  	v8 =	vshll.u32 v7, $0x3  }
0x2d7: {  	v7 =	vand.u32 $0x7F, v7;
	v8 =	vand.u32 $0xFFFFFC00, v8  }
0x2d8: {  	v7 =	vor.u32 v7, v8  }
0x2d9: {  	v7 =	vadd.s32 v6, v7;
	_ =	sdelay $0x4  }
0x2da: {  	[tilespmem:v7+s17+$0x0] =	vst.idx.add.s32.msk $0xffff, v5  }
0x2db: {  	v7 =	vld [tilespmem:s22+$0xF0];
	_ =	sdelay $0x4  }
0x2dc: {  	v8 =	vshll.u32 v7, $0x3  }
0x2dd: {  	v7 =	vand.u32 $0x7F, v7;
	v8 =	vand.u32 $0xFFFFFC00, v8  }
0x2de: {  	v7 =	vor.u32 v7, v8  }
0x2df: {  	v7 =	vadd.s32 v6, v7;
	_ =	sdelay $0x4  }
0x2e0: {  	[tilespmem:v7+s17+$0x0] =	vst.idx.add.s32.msk $0xffff, v4  }
0x2e1: {  	v7 =	vld [tilespmem:s22+$0x1CF0];
	_ =	sdelay $0x4  }
0x2e2: {  	v8 =	vshll.u32 v7, $0x3  }
0x2e3: {  	v7 =	vand.u32 $0x7F, v7;
	v8 =	vand.u32 $0xFFFFFC00, v8  }
0x2e4: {  	v7 =	vor.u32 v7, v8  }
0x2e5: {  	v7 =	vadd.s32 v6, v7;
	_ =	sdelay $0x4  }
0x2e6: {  	[tilespmem:v7+s17+$0x0] =	vst.idx.add.s32.msk $0xffff, v5  }
0x2e7: {  	v7 =	vld [tilespmem:s22+$0x170];
	_ =	sdelay $0x4  }
0x2e8: {  	v8 =	vshll.u32 v7, $0x3  }
0x2e9: {  	v7 =	vand.u32 $0x7F, v7;
	v8 =	vand.u32 $0xFFFFFC00, v8  }
0x2ea: {  	v7 =	vor.u32 v7, v8  }
0x2eb: {  	v7 =	vadd.s32 v6, v7;
	_ =	sdelay $0x4  }
0x2ec: {  	[tilespmem:v7+s17+$0x0] =	vst.idx.add.s32.msk $0xffff, v4  }
0x2ed: {  	v7 =	vld [tilespmem:s22+$0x1D70];
	_ =	sdelay $0x4  }
0x2ee: {  	v8 =	vshll.u32 v7, $0x3  }
0x2ef: {  	v7 =	vand.u32 $0x7F, v7;
	v8 =	vand.u32 $0xFFFFFC00, v8  }
0x2f0: {  	v7 =	vor.u32 v7, v8  }
0x2f1: {  	v7 =	vadd.s32 v6, v7;
	_ =	sdelay $0x4  }
0x2f2: {  	[tilespmem:v7+s17+$0x0] =	vst.idx.add.s32.msk $0xffff, v5  }
0x2f3: {  	v7 =	vld [tilespmem:s22+$0x1F0];
	_ =	sdelay $0x4  }
0x2f4: {  	v8 =	vshll.u32 v7, $0x3  }
0x2f5: {  	v7 =	vand.u32 $0x7F, v7;
	v8 =	vand.u32 $0xFFFFFC00, v8  }
0x2f6: {  	v7 =	vor.u32 v7, v8  }
0x2f7: {  	v7 =	vadd.s32 v6, v7;
	_ =	sdelay $0x4  }
0x2f8: {  	[tilespmem:v7+s17+$0x0] =	vst.idx.add.s32.msk $0xffff, v4  }
0x2f9: {  	v7 =	vld [tilespmem:s22+$0x1DF0];
	_ =	sdelay $0x4  }
0x2fa: {  	v8 =	vshll.u32 v7, $0x3  }
0x2fb: {  	v7 =	vand.u32 $0x7F, v7;
	v8 =	vand.u32 $0xFFFFFC00, v8  }
0x2fc: {  	v7 =	vor.u32 v7, v8  }
0x2fd: {  	v7 =	vadd.s32 v6, v7;
	_ =	sdelay $0x4  }
0x2fe: {  	[tilespmem:v7+s17+$0x0] =	vst.idx.add.s32.msk $0xffff, v5  }
0x2ff: {  	v7 =	vld [tilespmem:s22+$0x270];
	_ =	sdelay $0x4  }
0x300: {  	v8 =	vshll.u32 v7, $0x3  }
0x301: {  	v7 =	vand.u32 $0x7F, v7;
	v8 =	vand.u32 $0xFFFFFC00, v8  }
0x302: {  	v7 =	vor.u32 v7, v8  }
0x303: {  	v7 =	vadd.s32 v6, v7;
	_ =	sdelay $0x4  }
0x304: {  	[tilespmem:v7+s17+$0x0] =	vst.idx.add.s32.msk $0xffff, v4  }
0x305: {  	v7 =	vld [tilespmem:s22+$0x1E70];
	_ =	sdelay $0x4  }
0x306: {  	v8 =	vshll.u32 v7, $0x3  }
0x307: {  	v7 =	vand.u32 $0x7F, v7;
	v8 =	vand.u32 $0xFFFFFC00, v8  }
0x308: {  	v7 =	vor.u32 v7, v8  }
0x309: {  	p0 =	sne.s32 s21, $0x5A00;
	v7 =	vadd.s32 v6, v7  }
.Ltmp9:
0x30a: {  	_ = 	snop;
	(pc) =	sbr.rel @p0 .LBB2_16-.Ltmp9, $2  }
0x30b: {  	_ =	sdelay $0x2  }
0x30c: {  	s21 =	sadd.s32 $0xA00, s21;
	[tilespmem:v7+s17+$0x0] =	vst.idx.add.s32.msk $0xffff, v5  }
0x30d: {  	[hbm4b:s8+s2] =	stream.linear.scatter [tilespmem:s17], [sflag:$0x3], $0x5000, $0x38;
	[tilespmem:$0xD800] =	vst v63  }
0x30e: {  	s20 =	sadd.s32 $0x1, s20  }
0x30f: {  	_ =	swait.ge [sflag:s18], $0x5000;
	p0 =	sne.s32 s20, s9  }
.Ltmp10:
0x310: {  	[sflag:s18] =	ssyncset.done $0x0;
	(pc) =	sbr.rel @p0 .LBB2_1-.Ltmp10, $4  }
0x311: {  	[sflag:s18] =	ssyncadd.s32 $0xFFFFB000  }
0x312: {  	_ =	swait.ge [sflag:s19], $0x5000  }
0x313: {  	[sflag:s19] =	ssyncset.done $0x0  }
0x314: {  	[sflag:s19] =	ssyncadd.s32 $0xFFFFB000  }
0x315: {  	_ =	sfence.sel $0x180000  }
0x316: {  	[bflag:$0x0] =	sbarrier.arrive $0xFFFF  }
0x317: {  	p0 =	sne.s32 s1, $0x0;
	_ =	strace $0x90000047  }
0x318: {  	s0 =	sadd.s32 @!p0 $0x100000, s0;
	[bflag:$0x2] =	sbarrier.arrive $0xFFFF  }
0x319: {  	[sflag:s0] =	ssyncadd.tile.s32 @!p0 $0x1;
	_ =	shalt  }
.Lfunc_end2:
_tile_overlayer_lowered:
.L_overlay_start_2:
0x31a: {  	(tag) =	ssettag $0x2  }
0x31b: {  	s0 =	rddreg [dreg:$0x0];
	s2 =	stileid.u32  }
0x31c: {  	s1 =	rddreg [dreg:$0x1];
	p0 =	sne.s32 s2, $0x0  }
0x31d: {  	s3 =	rddreg [dreg:$0x2];
	[bflag:$0x3] =	sbarrier.arrive $0xFFFF;
	s2 =	simm.s32 @!p0 $0x1C04  }
0x31e: {  	[timem:s3], [sflag:s2] =	dma.local @!p0 [hbm:s0], s1  }
0x31f: {  	s0 =	simm.s32 @!p0 $0x4  }
0x320: {  	_ =	swait.ge @!p0 [sflag:s0], s1  }
0x321: {  	s1 =	ssub.s32 @!p0 $0x0, s1;
	[sflag:s0] =	ssyncset.done @!p0 $0x0  }
0x322: {  	[sflag:s0] =	ssyncadd.s32 @!p0 s1  }
0x323: {  	[bflag:$0x3] =	sbarrier.arrive $0xFFFF  }
0x324: {  	_ =	shalt  }

</sc_bundles>
